<compile_context>
chip_gen: v7x
topology: tpu7x:2x2x1
jax: 0.10.2.dev20260603
libtpu: 0.0.44.dev20260713+nightly
codegen_flags: <defaults>
</compile_context>

<pallas_src>
import functools

import jax
import jax.numpy as jnp
from jax import lax
from jax.experimental import pallas as pl
from jax.experimental.pallas import tpu as pltpu
from jax.experimental.pallas import tpu_sc as plsc

N_SPECIES = 100
N_NODES = 100000
N_FEATURES = 128
GCHUNK = 128
CHUNK = 320
NCH = 10
ROWS_PW = NCH * CHUNK
WSTRIDE = 3128
LAST_BASE = N_NODES - ROWS_PW
NBUF = 3
STRIPE = 8
FULL_STRIPES = N_SPECIES // STRIPE


def _emb_kernel(idx_hbm, table_hbm, out_hbm, idx_v, table_sh,
                buf0, buf1, buf2,
                gsem0, gsem1, gsem2,
                osem0, osem1, osem2, isem):
    sid = lax.axis_index("s")
    wid = sid * 2 + lax.axis_index("c")
    base = jnp.minimum(wid * WSTRIDE, LAST_BASE)

    idx_copy = pltpu.make_async_copy(
        idx_hbm.at[pl.ds(base, ROWS_PW)], idx_v, isem)
    idx_copy.start()
    @pl.when(sid < FULL_STRIPES)
    def _():
        offs = pl.multiple_of(sid * STRIPE, STRIPE)
        pltpu.sync_copy(table_hbm.at[pl.ds(offs, STRIPE)],
                        table_sh.at[pl.ds(offs, STRIPE)])

    @pl.when(sid == FULL_STRIPES)
    def _():
        pltpu.sync_copy(
            table_hbm.at[pl.ds(FULL_STRIPES * STRIPE,
                               N_SPECIES - FULL_STRIPES * STRIPE)],
            table_sh.at[pl.ds(FULL_STRIPES * STRIPE,
                              N_SPECIES - FULL_STRIPES * STRIPE)])
    plsc.subcore_barrier()
    idx_copy.wait()

    bufs = (buf0, buf1, buf2)
    gsems = (gsem0, gsem1, gsem2)
    osems = (osem0, osem1, osem2)

    def g3(t, b):
        for o, w in ((0, GCHUNK), (GCHUNK, GCHUNK),
                     (2 * GCHUNK, CHUNK - 2 * GCHUNK)):
            pltpu.async_copy(
                table_sh.at[idx_v.at[pl.ds(t * CHUNK + o, w)]],
                bufs[b].at[pl.ds(o, w)], gsems[b])

    def gw(b):
        pltpu.make_async_copy(
            out_hbm.at[pl.ds(0, CHUNK)], bufs[b], gsems[b]).wait()

    def out(t, b):
        pltpu.async_copy(
            bufs[b], out_hbm.at[pl.ds(base + t * CHUNK, CHUNK)], osems[b])

    def ow(b):
        pltpu.make_async_copy(
            bufs[b], out_hbm.at[pl.ds(base, CHUNK)], osems[b]).wait()

    g3(0, 0)
    for t in range(NCH):
        b = t % NBUF
        gw(b)
        out(t, b)
        bn = (t + 1) % NBUF
        if t + 1 >= NBUF:
            ow(bn)
        if t + 1 < NCH:
            g3(t + 1, bn)

    ow(2)
    ow(0)


@jax.jit
def _emb(node_specie, table):
    mesh = plsc.VectorSubcoreMesh(core_axis_name="c", subcore_axis_name="s")
    f = functools.partial(
        pl.kernel,
        mesh=mesh,
        out_type=jax.ShapeDtypeStruct((N_NODES, N_FEATURES), jnp.float32),
        scratch_types=[
            pltpu.VMEM((ROWS_PW,), jnp.int32),
            pltpu.VMEM_SHARED((N_SPECIES, N_FEATURES), jnp.float32),
            pltpu.VMEM((CHUNK, N_FEATURES), jnp.float32),
            pltpu.VMEM((CHUNK, N_FEATURES), jnp.float32),
            pltpu.VMEM((CHUNK, N_FEATURES), jnp.float32),
            pltpu.SemaphoreType.DMA,
            pltpu.SemaphoreType.DMA,
            pltpu.SemaphoreType.DMA,
            pltpu.SemaphoreType.DMA,
            pltpu.SemaphoreType.DMA,
            pltpu.SemaphoreType.DMA,
            pltpu.SemaphoreType.DMA,
        ],
    )(_emb_kernel)
    return f(node_specie, table)


def kernel(node_specie, embeddings_0):
    table = embeddings_0.reshape(embeddings_0.shape[0], N_FEATURES)
    out = _emb(node_specie, table)
    return out.reshape(N_NODES, N_FEATURES, 1)

# --- scband reference (transcript-rebuilt; emitter-appended) ---
"""Pipeline reference for scband-linear-node-embedding-block-51900384805549 (READ-ONLY COPY).

The authoritative reference and input builder live on the scoring server;
editing this copy changes nothing except your own understanding.
"""

import jax, jax.numpy as jnp
import numpy as np

# Config mirrors LinearNodeEmbeddingBlock(num_species=100, num_features=128, irreps_out='1x0e')
NUM_SPECIES = 100
NUM_FEATURES = 128
MUL = 1       # multiplicity of the single 0e irrep
IR_DIM = 1    # dim of scalar irrep 0e
N_NODES = 100000


def setup_inputs(seed: int = 0) -> dict:
    key = jax.random.key(seed)
    k1, k2 = jax.random.split(key)
    node_specie = jax.random.randint(k1, (N_NODES,), 0, NUM_SPECIES, dtype=jnp.int32)
    # learned parameter 'embeddings_0' per hk.get_parameter, RandomNormal init
    embeddings_0 = jax.random.normal(k2, (NUM_SPECIES, NUM_FEATURES, MUL, IR_DIM), dtype=jnp.float32)
    return {"node_specie": node_specie, "embeddings_0": embeddings_0}


def reference(node_specie, embeddings_0):
    # For each (mul, ir) in irreps_out: only '0e' entries get an embedding table
    # and are gathered by node species; here irreps_out = '1x0e' (single scalar block).
    emb = jnp.take(embeddings_0, node_specie, axis=0)  # (N, num_features, mul, ir.dim)
    # e3nn.IrrepsArray.from_list concatenates the per-irrep blocks along the last axes
    # into an array of shape (N, num_features, irreps.dim)
    out = emb.reshape(emb.shape[0], NUM_FEATURES, MUL * IR_DIM)
    return out

if __name__ == "__main__":
    import jax
    _d = setup_inputs()
    print(jax.jit(kernel)(*tuple(_d.values())))

</pallas_src>

<mosaic_0001>
#map = affine_map<(d0, d1) -> (0)>
#map1 = affine_map<(d0, d1) -> (0, 0)>
module attributes {stable_mosaic.version = 14 : i64} {
  func.func @_emb_kernel(%arg0: i32, %arg1: i32, %arg2: memref<100000xi32, #tpu.memory_space<hbm>>, %arg3: memref<100x128xf32, #tpu.memory_space<hbm>>, %arg4: memref<100000x128xf32, #tpu.memory_space<hbm>>, %arg5: memref<3200xi32, #tpu.memory_space<vmem>>, %arg6: memref<100x128xf32, #tpu.memory_space<vmem_shared>>, %arg7: memref<320x128xf32, #tpu.memory_space<vmem>>, %arg8: memref<320x128xf32, #tpu.memory_space<vmem>>, %arg9: memref<320x128xf32, #tpu.memory_space<vmem>>, %arg10: memref<!tpu.dma_semaphore, #tpu.memory_space<semaphore_mem>>, %arg11: memref<!tpu.dma_semaphore, #tpu.memory_space<semaphore_mem>>, %arg12: memref<!tpu.dma_semaphore, #tpu.memory_space<semaphore_mem>>, %arg13: memref<!tpu.dma_semaphore, #tpu.memory_space<semaphore_mem>>, %arg14: memref<!tpu.dma_semaphore, #tpu.memory_space<semaphore_mem>>, %arg15: memref<!tpu.dma_semaphore, #tpu.memory_space<semaphore_mem>>, %arg16: memref<!tpu.dma_semaphore, #tpu.memory_space<semaphore_mem>>) attributes {dimension_semantics = [#tpu.dimension_semantics<core_parallel>, #tpu.dimension_semantics<subcore_parallel>], iteration_bounds = array<i64: 2, 16>, scalar_prefetch = 0 : i64, scratch_operands = 12 : i64, tpu.core_type = #tpu.core_type<sc_vector_subcore>, window_params = [{transform_indices = #map}, {transform_indices = #map1}, {transform_indices = #map1}]} {
    %mul3A = arith.constant 2 : i32
    %mul3A_0 = arith.muli %arg1, %mul3A : i32
    %add3A = arith.addi %mul3A_0, %arg0 : i32
    %mul3A_1 = arith.constant 3128 : i32
    %mul3A_2 = arith.muli %add3A, %mul3A_1 : i32
    %min3A = arith.constant 96800 : i32
    %min3A_3 = arith.minsi %mul3A_2, %min3A : i32
    %dma_start3A = tpu.memref_slice %arg2[%min3A_3] : memref<100000xi32, #tpu.memory_space<hbm>> -> memref<3200xi32, #tpu.memory_space<hbm>>
    %dma_start3A_4 = tpu.memref_slice %arg2[%min3A_3] : memref<100000xi32, #tpu.memory_space<hbm>> -> memref<3200xi32, #tpu.memory_space<hbm>>
    tpu.enqueue_dma source(%dma_start3A_4 : memref<3200xi32, #tpu.memory_space<hbm>>) target(%arg5 : memref<3200xi32, #tpu.memory_space<vmem>>) target_semaphore(%arg16 : memref<!tpu.dma_semaphore, #tpu.memory_space<semaphore_mem>>)
    %lt3A = arith.constant 12 : i32
    %lt3A_5 = arith.cmpi slt, %arg1, %lt3A : i32
    %convert_element_type3A = arith.extui %lt3A_5 : i1 to i32
    %cond3A = arith.constant 0 : i32
    %cond3A_6 = arith.cmpi ne, %convert_element_type3A, %cond3A : i32
    scf.if %cond3A_6 {
      %mul3A_412 = arith.constant 8 : i32
      %mul3A_413 = arith.muli %arg1, %mul3A_412 : i32
      %multiple_of3A = tpu.assume_multiple %mul3A_413, 8 : i32
      "tpu.region"() ({
        %run_scoped3A = tpu.sem_alloc : memref<!tpu.dma_semaphore, #tpu.memory_space<semaphore_mem>>
        %dma_start3A_414 = arith.constant 0 : i32
        %dma_start3A_415 = tpu.memref_slice %arg6[%multiple_of3A, %dma_start3A_414] : memref<100x128xf32, #tpu.memory_space<vmem_shared>> -> memref<8x128xf32, #tpu.memory_space<vmem_shared>>
        %dma_start3A_416 = arith.constant 0 : i32
        %dma_start3A_417 = tpu.memref_slice %arg3[%multiple_of3A, %dma_start3A_416] : memref<100x128xf32, #tpu.memory_space<hbm>> -> memref<8x128xf32, #tpu.memory_space<hbm>>
        tpu.enqueue_dma source(%dma_start3A_417 : memref<8x128xf32, #tpu.memory_space<hbm>>) target(%dma_start3A_415 : memref<8x128xf32, #tpu.memory_space<vmem_shared>>) target_semaphore(%run_scoped3A : memref<!tpu.dma_semaphore, #tpu.memory_space<semaphore_mem>>)
        %dma_wait3A_418 = arith.constant 0 : i32
        %dma_wait3A_419 = tpu.memref_slice %arg6[%multiple_of3A, %dma_wait3A_418] : memref<100x128xf32, #tpu.memory_space<vmem_shared>> -> memref<8x128xf32, #tpu.memory_space<vmem_shared>>
        %dma_wait3A_420 = arith.constant 0 : i32
        %dma_wait3A_421 = tpu.memref_slice %arg3[%multiple_of3A, %dma_wait3A_420] : memref<100x128xf32, #tpu.memory_space<hbm>> -> memref<8x128xf32, #tpu.memory_space<hbm>>
        tpu.wait_dma2 semaphore(%run_scoped3A : memref<!tpu.dma_semaphore, #tpu.memory_space<semaphore_mem>>) src(%dma_wait3A_421 : memref<8x128xf32, #tpu.memory_space<hbm>>) dst(%dma_wait3A_419 : memref<8x128xf32, #tpu.memory_space<vmem_shared>>)
        tpu.yield
      }) : () -> ()
    } else {
    }
    %eq3A = arith.constant 12 : i32
    %eq3A_7 = arith.cmpi eq, %arg1, %eq3A : i32
    %convert_element_type3A_8 = arith.extui %eq3A_7 : i1 to i32
    %cond3A_9 = arith.constant 0 : i32
    %cond3A_10 = arith.cmpi ne, %convert_element_type3A_8, %cond3A_9 : i32
    scf.if %cond3A_10 {
      "tpu.region"() ({
        %run_scoped3A = tpu.sem_alloc : memref<!tpu.dma_semaphore, #tpu.memory_space<semaphore_mem>>
        %dma_start3A_412 = arith.constant 96 : i32
        %dma_start3A_413 = arith.constant 0 : i32
        %dma_start3A_414 = tpu.memref_slice %arg6[%dma_start3A_412, %dma_start3A_413] : memref<100x128xf32, #tpu.memory_space<vmem_shared>> -> memref<4x128xf32, #tpu.memory_space<vmem_shared>>
        %dma_start3A_415 = arith.constant 96 : i32
        %dma_start3A_416 = arith.constant 0 : i32
        %dma_start3A_417 = tpu.memref_slice %arg3[%dma_start3A_415, %dma_start3A_416] : memref<100x128xf32, #tpu.memory_space<hbm>> -> memref<4x128xf32, #tpu.memory_space<hbm>>
        tpu.enqueue_dma source(%dma_start3A_417 : memref<4x128xf32, #tpu.memory_space<hbm>>) target(%dma_start3A_414 : memref<4x128xf32, #tpu.memory_space<vmem_shared>>) target_semaphore(%run_scoped3A : memref<!tpu.dma_semaphore, #tpu.memory_space<semaphore_mem>>)
        %dma_wait3A_418 = arith.constant 96 : i32
        %dma_wait3A_419 = arith.constant 0 : i32
        %dma_wait3A_420 = tpu.memref_slice %arg6[%dma_wait3A_418, %dma_wait3A_419] : memref<100x128xf32, #tpu.memory_space<vmem_shared>> -> memref<4x128xf32, #tpu.memory_space<vmem_shared>>
        %dma_wait3A_421 = arith.constant 96 : i32
        %dma_wait3A_422 = arith.constant 0 : i32
        %dma_wait3A_423 = tpu.memref_slice %arg3[%dma_wait3A_421, %dma_wait3A_422] : memref<100x128xf32, #tpu.memory_space<hbm>> -> memref<4x128xf32, #tpu.memory_space<hbm>>
        tpu.wait_dma2 semaphore(%run_scoped3A : memref<!tpu.dma_semaphore, #tpu.memory_space<semaphore_mem>>) src(%dma_wait3A_423 : memref<4x128xf32, #tpu.memory_space<hbm>>) dst(%dma_wait3A_420 : memref<4x128xf32, #tpu.memory_space<vmem_shared>>)
        tpu.yield
      }) : () -> ()
    } else {
    }
    %barrier3A = arith.constant 0 : index
    tpu.barrier barrier_id(%barrier3A)
    %dma_wait3A = tpu.memref_slice %arg2[%min3A_3] : memref<100000xi32, #tpu.memory_space<hbm>> -> memref<3200xi32, #tpu.memory_space<hbm>>
    %dma_wait3A_11 = tpu.memref_slice %arg2[%min3A_3] : memref<100000xi32, #tpu.memory_space<hbm>> -> memref<3200xi32, #tpu.memory_space<hbm>>
    tpu.wait_dma2 semaphore(%arg16 : memref<!tpu.dma_semaphore, #tpu.memory_space<semaphore_mem>>) src(%dma_wait3A_11 : memref<3200xi32, #tpu.memory_space<hbm>>) dst(%arg5 : memref<3200xi32, #tpu.memory_space<vmem>>)
    %dma_start3A_12 = arith.constant 0 : i32
    %dma_start3A_13 = arith.constant 0 : i32
    %dma_start3A_14 = tpu.memref_slice %arg7[%dma_start3A_12, %dma_start3A_13] : memref<320x128xf32, #tpu.memory_space<vmem>> -> memref<128x128xf32, #tpu.memory_space<vmem>>
    %dma_start3A_15 = arith.constant 0 : i32
    %dma_start3A_16 = tpu.memref_slice %arg5[%dma_start3A_15] : memref<3200xi32, #tpu.memory_space<vmem>> -> memref<128xi32, #tpu.memory_space<vmem>>
    %dma_start3A_17 = arith.constant 0 : i32
    %dma_start3A_18 = arith.constant 0 : i32
    %dma_start3A_19 = tpu.memref_slice %arg6[%dma_start3A_17, %dma_start3A_18] : memref<100x128xf32, #tpu.memory_space<vmem_shared>> -> memref<100x128xf32, #tpu.memory_space<vmem_shared>>
    tpu.enqueue_indirect_dma source(%dma_start3A_19 : memref<100x128xf32, #tpu.memory_space<vmem_shared>>) target(%dma_start3A_14 : memref<128x128xf32, #tpu.memory_space<vmem>>) offsets(%dma_start3A_16 : memref<128xi32, #tpu.memory_space<vmem>>) semaphore(%arg10 : memref<!tpu.dma_semaphore, #tpu.memory_space<semaphore_mem>>)
    %dma_start3A_20 = arith.constant 128 : i32
    %dma_start3A_21 = arith.constant 0 : i32
    %dma_start3A_22 = tpu.memref_slice %arg7[%dma_start3A_20, %dma_start3A_21] : memref<320x128xf32, #tpu.memory_space<vmem>> -> memref<128x128xf32, #tpu.memory_space<vmem>>
    %dma_start3A_23 = arith.constant 128 : i32
    %dma_start3A_24 = tpu.memref_slice %arg5[%dma_start3A_23] : memref<3200xi32, #tpu.memory_space<vmem>> -> memref<128xi32, #tpu.memory_space<vmem>>
    %dma_start3A_25 = arith.constant 0 : i32
    %dma_start3A_26 = arith.constant 0 : i32
    %dma_start3A_27 = tpu.memref_slice %arg6[%dma_start3A_25, %dma_start3A_26] : memref<100x128xf32, #tpu.memory_space<vmem_shared>> -> memref<100x128xf32, #tpu.memory_space<vmem_shared>>
    tpu.enqueue_indirect_dma source(%dma_start3A_27 : memref<100x128xf32, #tpu.memory_space<vmem_shared>>) target(%dma_start3A_22 : memref<128x128xf32, #tpu.memory_space<vmem>>) offsets(%dma_start3A_24 : memref<128xi32, #tpu.memory_space<vmem>>) semaphore(%arg10 : memref<!tpu.dma_semaphore, #tpu.memory_space<semaphore_mem>>)
    %dma_start3A_28 = arith.constant 256 : i32
    %dma_start3A_29 = arith.constant 0 : i32
    %dma_start3A_30 = tpu.memref_slice %arg7[%dma_start3A_28, %dma_start3A_29] : memref<320x128xf32, #tpu.memory_space<vmem>> -> memref<64x128xf32, #tpu.memory_space<vmem>>
    %dma_start3A_31 = arith.constant 256 : i32
    %dma_start3A_32 = tpu.memref_slice %arg5[%dma_start3A_31] : memref<3200xi32, #tpu.memory_space<vmem>> -> memref<64xi32, #tpu.memory_space<vmem>>
    %dma_start3A_33 = arith.constant 0 : i32
    %dma_start3A_34 = arith.constant 0 : i32
    %dma_start3A_35 = tpu.memref_slice %arg6[%dma_start3A_33, %dma_start3A_34] : memref<100x128xf32, #tpu.memory_space<vmem_shared>> -> memref<100x128xf32, #tpu.memory_space<vmem_shared>>
    tpu.enqueue_indirect_dma source(%dma_start3A_35 : memref<100x128xf32, #tpu.memory_space<vmem_shared>>) target(%dma_start3A_30 : memref<64x128xf32, #tpu.memory_space<vmem>>) offsets(%dma_start3A_32 : memref<64xi32, #tpu.memory_space<vmem>>) semaphore(%arg10 : memref<!tpu.dma_semaphore, #tpu.memory_space<semaphore_mem>>)
    %dma_wait3A_36 = arith.constant 0 : i32
    %dma_wait3A_37 = arith.constant 0 : i32
    %dma_wait3A_38 = tpu.memref_slice %arg4[%dma_wait3A_36, %dma_wait3A_37] : memref<100000x128xf32, #tpu.memory_space<hbm>> -> memref<320x128xf32, #tpu.memory_space<hbm>>
    %dma_wait3A_39 = arith.constant 0 : i32
    %dma_wait3A_40 = arith.constant 0 : i32
    %dma_wait3A_41 = tpu.memref_slice %arg4[%dma_wait3A_39, %dma_wait3A_40] : memref<100000x128xf32, #tpu.memory_space<hbm>> -> memref<320x128xf32, #tpu.memory_space<hbm>>
    tpu.wait_dma2 semaphore(%arg10 : memref<!tpu.dma_semaphore, #tpu.memory_space<semaphore_mem>>) src(%dma_wait3A_41 : memref<320x128xf32, #tpu.memory_space<hbm>>) dst(%arg7 : memref<320x128xf32, #tpu.memory_space<vmem>>)
    %add3A_42 = arith.constant 0 : i32
    %add3A_43 = arith.addi %min3A_3, %add3A_42 : i32
    %dma_start3A_44 = arith.constant 0 : i32
    %dma_start3A_45 = tpu.memref_slice %arg4[%add3A_43, %dma_start3A_44] : memref<100000x128xf32, #tpu.memory_space<hbm>> -> memref<320x128xf32, #tpu.memory_space<hbm>>
    %dma_start3A_46 = arith.constant 0 : i32
    %dma_start3A_47 = tpu.memref_slice %arg4[%add3A_43, %dma_start3A_46] : memref<100000x128xf32, #tpu.memory_space<hbm>> -> memref<320x128xf32, #tpu.memory_space<hbm>>
    tpu.enqueue_dma source(%arg7 : memref<320x128xf32, #tpu.memory_space<vmem>>) target(%dma_start3A_47 : memref<320x128xf32, #tpu.memory_space<hbm>>) target_semaphore(%arg13 : memref<!tpu.dma_semaphore, #tpu.memory_space<semaphore_mem>>)
    %dma_start3A_48 = arith.constant 0 : i32
    %dma_start3A_49 = arith.constant 0 : i32
    %dma_start3A_50 = tpu.memref_slice %arg8[%dma_start3A_48, %dma_start3A_49] : memref<320x128xf32, #tpu.memory_space<vmem>> -> memref<128x128xf32, #tpu.memory_space<vmem>>
    %dma_start3A_51 = arith.constant 320 : i32
    %dma_start3A_52 = tpu.memref_slice %arg5[%dma_start3A_51] : memref<3200xi32, #tpu.memory_space<vmem>> -> memref<128xi32, #tpu.memory_space<vmem>>
    %dma_start3A_53 = arith.constant 0 : i32
    %dma_start3A_54 = arith.constant 0 : i32
    %dma_start3A_55 = tpu.memref_slice %arg6[%dma_start3A_53, %dma_start3A_54] : memref<100x128xf32, #tpu.memory_space<vmem_shared>> -> memref<100x128xf32, #tpu.memory_space<vmem_shared>>
    tpu.enqueue_indirect_dma source(%dma_start3A_55 : memref<100x128xf32, #tpu.memory_space<vmem_shared>>) target(%dma_start3A_50 : memref<128x128xf32, #tpu.memory_space<vmem>>) offsets(%dma_start3A_52 : memref<128xi32, #tpu.memory_space<vmem>>) semaphore(%arg11 : memref<!tpu.dma_semaphore, #tpu.memory_space<semaphore_mem>>)
    %dma_start3A_56 = arith.constant 128 : i32
    %dma_start3A_57 = arith.constant 0 : i32
    %dma_start3A_58 = tpu.memref_slice %arg8[%dma_start3A_56, %dma_start3A_57] : memref<320x128xf32, #tpu.memory_space<vmem>> -> memref<128x128xf32, #tpu.memory_space<vmem>>
    %dma_start3A_59 = arith.constant 448 : i32
    %dma_start3A_60 = tpu.memref_slice %arg5[%dma_start3A_59] : memref<3200xi32, #tpu.memory_space<vmem>> -> memref<128xi32, #tpu.memory_space<vmem>>
    %dma_start3A_61 = arith.constant 0 : i32
    %dma_start3A_62 = arith.constant 0 : i32
    %dma_start3A_63 = tpu.memref_slice %arg6[%dma_start3A_61, %dma_start3A_62] : memref<100x128xf32, #tpu.memory_space<vmem_shared>> -> memref<100x128xf32, #tpu.memory_space<vmem_shared>>
    tpu.enqueue_indirect_dma source(%dma_start3A_63 : memref<100x128xf32, #tpu.memory_space<vmem_shared>>) target(%dma_start3A_58 : memref<128x128xf32, #tpu.memory_space<vmem>>) offsets(%dma_start3A_60 : memref<128xi32, #tpu.memory_space<vmem>>) semaphore(%arg11 : memref<!tpu.dma_semaphore, #tpu.memory_space<semaphore_mem>>)
    %dma_start3A_64 = arith.constant 256 : i32
    %dma_start3A_65 = arith.constant 0 : i32
    %dma_start3A_66 = tpu.memref_slice %arg8[%dma_start3A_64, %dma_start3A_65] : memref<320x128xf32, #tpu.memory_space<vmem>> -> memref<64x128xf32, #tpu.memory_space<vmem>>
    %dma_start3A_67 = arith.constant 576 : i32
    %dma_start3A_68 = tpu.memref_slice %arg5[%dma_start3A_67] : memref<3200xi32, #tpu.memory_space<vmem>> -> memref<64xi32, #tpu.memory_space<vmem>>
    %dma_start3A_69 = arith.constant 0 : i32
    %dma_start3A_70 = arith.constant 0 : i32
    %dma_start3A_71 = tpu.memref_slice %arg6[%dma_start3A_69, %dma_start3A_70] : memref<100x128xf32, #tpu.memory_space<vmem_shared>> -> memref<100x128xf32, #tpu.memory_space<vmem_shared>>
    tpu.enqueue_indirect_dma source(%dma_start3A_71 : memref<100x128xf32, #tpu.memory_space<vmem_shared>>) target(%dma_start3A_66 : memref<64x128xf32, #tpu.memory_space<vmem>>) offsets(%dma_start3A_68 : memref<64xi32, #tpu.memory_space<vmem>>) semaphore(%arg11 : memref<!tpu.dma_semaphore, #tpu.memory_space<semaphore_mem>>)
    %dma_wait3A_72 = arith.constant 0 : i32
    %dma_wait3A_73 = arith.constant 0 : i32
    %dma_wait3A_74 = tpu.memref_slice %arg4[%dma_wait3A_72, %dma_wait3A_73] : memref<100000x128xf32, #tpu.memory_space<hbm>> -> memref<320x128xf32, #tpu.memory_space<hbm>>
    %dma_wait3A_75 = arith.constant 0 : i32
    %dma_wait3A_76 = arith.constant 0 : i32
    %dma_wait3A_77 = tpu.memref_slice %arg4[%dma_wait3A_75, %dma_wait3A_76] : memref<100000x128xf32, #tpu.memory_space<hbm>> -> memref<320x128xf32, #tpu.memory_space<hbm>>
    tpu.wait_dma2 semaphore(%arg11 : memref<!tpu.dma_semaphore, #tpu.memory_space<semaphore_mem>>) src(%dma_wait3A_77 : memref<320x128xf32, #tpu.memory_space<hbm>>) dst(%arg8 : memref<320x128xf32, #tpu.memory_space<vmem>>)
    %add3A_78 = arith.constant 320 : i32
    %add3A_79 = arith.addi %min3A_3, %add3A_78 : i32
    %dma_start3A_80 = arith.constant 0 : i32
    %dma_start3A_81 = tpu.memref_slice %arg4[%add3A_79, %dma_start3A_80] : memref<100000x128xf32, #tpu.memory_space<hbm>> -> memref<320x128xf32, #tpu.memory_space<hbm>>
    %dma_start3A_82 = arith.constant 0 : i32
    %dma_start3A_83 = tpu.memref_slice %arg4[%add3A_79, %dma_start3A_82] : memref<100000x128xf32, #tpu.memory_space<hbm>> -> memref<320x128xf32, #tpu.memory_space<hbm>>
    tpu.enqueue_dma source(%arg8 : memref<320x128xf32, #tpu.memory_space<vmem>>) target(%dma_start3A_83 : memref<320x128xf32, #tpu.memory_space<hbm>>) target_semaphore(%arg14 : memref<!tpu.dma_semaphore, #tpu.memory_space<semaphore_mem>>)
    %dma_start3A_84 = arith.constant 0 : i32
    %dma_start3A_85 = arith.constant 0 : i32
    %dma_start3A_86 = tpu.memref_slice %arg9[%dma_start3A_84, %dma_start3A_85] : memref<320x128xf32, #tpu.memory_space<vmem>> -> memref<128x128xf32, #tpu.memory_space<vmem>>
    %dma_start3A_87 = arith.constant 640 : i32
    %dma_start3A_88 = tpu.memref_slice %arg5[%dma_start3A_87] : memref<3200xi32, #tpu.memory_space<vmem>> -> memref<128xi32, #tpu.memory_space<vmem>>
    %dma_start3A_89 = arith.constant 0 : i32
    %dma_start3A_90 = arith.constant 0 : i32
    %dma_start3A_91 = tpu.memref_slice %arg6[%dma_start3A_89, %dma_start3A_90] : memref<100x128xf32, #tpu.memory_space<vmem_shared>> -> memref<100x128xf32, #tpu.memory_space<vmem_shared>>
    tpu.enqueue_indirect_dma source(%dma_start3A_91 : memref<100x128xf32, #tpu.memory_space<vmem_shared>>) target(%dma_start3A_86 : memref<128x128xf32, #tpu.memory_space<vmem>>) offsets(%dma_start3A_88 : memref<128xi32, #tpu.memory_space<vmem>>) semaphore(%arg12 : memref<!tpu.dma_semaphore, #tpu.memory_space<semaphore_mem>>)
    %dma_start3A_92 = arith.constant 128 : i32
    %dma_start3A_93 = arith.constant 0 : i32
    %dma_start3A_94 = tpu.memref_slice %arg9[%dma_start3A_92, %dma_start3A_93] : memref<320x128xf32, #tpu.memory_space<vmem>> -> memref<128x128xf32, #tpu.memory_space<vmem>>
    %dma_start3A_95 = arith.constant 768 : i32
    %dma_start3A_96 = tpu.memref_slice %arg5[%dma_start3A_95] : memref<3200xi32, #tpu.memory_space<vmem>> -> memref<128xi32, #tpu.memory_space<vmem>>
    %dma_start3A_97 = arith.constant 0 : i32
    %dma_start3A_98 = arith.constant 0 : i32
    %dma_start3A_99 = tpu.memref_slice %arg6[%dma_start3A_97, %dma_start3A_98] : memref<100x128xf32, #tpu.memory_space<vmem_shared>> -> memref<100x128xf32, #tpu.memory_space<vmem_shared>>
    tpu.enqueue_indirect_dma source(%dma_start3A_99 : memref<100x128xf32, #tpu.memory_space<vmem_shared>>) target(%dma_start3A_94 : memref<128x128xf32, #tpu.memory_space<vmem>>) offsets(%dma_start3A_96 : memref<128xi32, #tpu.memory_space<vmem>>) semaphore(%arg12 : memref<!tpu.dma_semaphore, #tpu.memory_space<semaphore_mem>>)
    %dma_start3A_100 = arith.constant 256 : i32
    %dma_start3A_101 = arith.constant 0 : i32
    %dma_start3A_102 = tpu.memref_slice %arg9[%dma_start3A_100, %dma_start3A_101] : memref<320x128xf32, #tpu.memory_space<vmem>> -> memref<64x128xf32, #tpu.memory_space<vmem>>
    %dma_start3A_103 = arith.constant 896 : i32
    %dma_start3A_104 = tpu.memref_slice %arg5[%dma_start3A_103] : memref<3200xi32, #tpu.memory_space<vmem>> -> memref<64xi32, #tpu.memory_space<vmem>>
    %dma_start3A_105 = arith.constant 0 : i32
    %dma_start3A_106 = arith.constant 0 : i32
    %dma_start3A_107 = tpu.memref_slice %arg6[%dma_start3A_105, %dma_start3A_106] : memref<100x128xf32, #tpu.memory_space<vmem_shared>> -> memref<100x128xf32, #tpu.memory_space<vmem_shared>>
    tpu.enqueue_indirect_dma source(%dma_start3A_107 : memref<100x128xf32, #tpu.memory_space<vmem_shared>>) target(%dma_start3A_102 : memref<64x128xf32, #tpu.memory_space<vmem>>) offsets(%dma_start3A_104 : memref<64xi32, #tpu.memory_space<vmem>>) semaphore(%arg12 : memref<!tpu.dma_semaphore, #tpu.memory_space<semaphore_mem>>)
    %dma_wait3A_108 = arith.constant 0 : i32
    %dma_wait3A_109 = arith.constant 0 : i32
    %dma_wait3A_110 = tpu.memref_slice %arg4[%dma_wait3A_108, %dma_wait3A_109] : memref<100000x128xf32, #tpu.memory_space<hbm>> -> memref<320x128xf32, #tpu.memory_space<hbm>>
    %dma_wait3A_111 = arith.constant 0 : i32
    %dma_wait3A_112 = arith.constant 0 : i32
    %dma_wait3A_113 = tpu.memref_slice %arg4[%dma_wait3A_111, %dma_wait3A_112] : memref<100000x128xf32, #tpu.memory_space<hbm>> -> memref<320x128xf32, #tpu.memory_space<hbm>>
    tpu.wait_dma2 semaphore(%arg12 : memref<!tpu.dma_semaphore, #tpu.memory_space<semaphore_mem>>) src(%dma_wait3A_113 : memref<320x128xf32, #tpu.memory_space<hbm>>) dst(%arg9 : memref<320x128xf32, #tpu.memory_space<vmem>>)
    %add3A_114 = arith.constant 640 : i32
    %add3A_115 = arith.addi %min3A_3, %add3A_114 : i32
    %dma_start3A_116 = arith.constant 0 : i32
    %dma_start3A_117 = tpu.memref_slice %arg4[%add3A_115, %dma_start3A_116] : memref<100000x128xf32, #tpu.memory_space<hbm>> -> memref<320x128xf32, #tpu.memory_space<hbm>>
    %dma_start3A_118 = arith.constant 0 : i32
    %dma_start3A_119 = tpu.memref_slice %arg4[%add3A_115, %dma_start3A_118] : memref<100000x128xf32, #tpu.memory_space<hbm>> -> memref<320x128xf32, #tpu.memory_space<hbm>>
    tpu.enqueue_dma source(%arg9 : memref<320x128xf32, #tpu.memory_space<vmem>>) target(%dma_start3A_119 : memref<320x128xf32, #tpu.memory_space<hbm>>) target_semaphore(%arg15 : memref<!tpu.dma_semaphore, #tpu.memory_space<semaphore_mem>>)
    %dma_wait3A_120 = arith.constant 0 : i32
    %dma_wait3A_121 = tpu.memref_slice %arg4[%min3A_3, %dma_wait3A_120] : memref<100000x128xf32, #tpu.memory_space<hbm>> -> memref<320x128xf32, #tpu.memory_space<hbm>>
    %dma_wait3A_122 = arith.constant 0 : i32
    %dma_wait3A_123 = tpu.memref_slice %arg4[%min3A_3, %dma_wait3A_122] : memref<100000x128xf32, #tpu.memory_space<hbm>> -> memref<320x128xf32, #tpu.memory_space<hbm>>
    tpu.wait_dma2 semaphore(%arg13 : memref<!tpu.dma_semaphore, #tpu.memory_space<semaphore_mem>>) src(%arg7 : memref<320x128xf32, #tpu.memory_space<vmem>>) dst(%dma_wait3A_123 : memref<320x128xf32, #tpu.memory_space<hbm>>)
    %dma_start3A_124 = arith.constant 0 : i32
    %dma_start3A_125 = arith.constant 0 : i32
    %dma_start3A_126 = tpu.memref_slice %arg7[%dma_start3A_124, %dma_start3A_125] : memref<320x128xf32, #tpu.memory_space<vmem>> -> memref<128x128xf32, #tpu.memory_space<vmem>>
    %dma_start3A_127 = arith.constant 960 : i32
    %dma_start3A_128 = tpu.memref_slice %arg5[%dma_start3A_127] : memref<3200xi32, #tpu.memory_space<vmem>> -> memref<128xi32, #tpu.memory_space<vmem>>
    %dma_start3A_129 = arith.constant 0 : i32
    %dma_start3A_130 = arith.constant 0 : i32
    %dma_start3A_131 = tpu.memref_slice %arg6[%dma_start3A_129, %dma_start3A_130] : memref<100x128xf32, #tpu.memory_space<vmem_shared>> -> memref<100x128xf32, #tpu.memory_space<vmem_shared>>
    tpu.enqueue_indirect_dma source(%dma_start3A_131 : memref<100x128xf32, #tpu.memory_space<vmem_shared>>) target(%dma_start3A_126 : memref<128x128xf32, #tpu.memory_space<vmem>>) offsets(%dma_start3A_128 : memref<128xi32, #tpu.memory_space<vmem>>) semaphore(%arg10 : memref<!tpu.dma_semaphore, #tpu.memory_space<semaphore_mem>>)
    %dma_start3A_132 = arith.constant 128 : i32
    %dma_start3A_133 = arith.constant 0 : i32
    %dma_start3A_134 = tpu.memref_slice %arg7[%dma_start3A_132, %dma_start3A_133] : memref<320x128xf32, #tpu.memory_space<vmem>> -> memref<128x128xf32, #tpu.memory_space<vmem>>
    %dma_start3A_135 = arith.constant 1088 : i32
    %dma_start3A_136 = tpu.memref_slice %arg5[%dma_start3A_135] : memref<3200xi32, #tpu.memory_space<vmem>> -> memref<128xi32, #tpu.memory_space<vmem>>
    %dma_start3A_137 = arith.constant 0 : i32
    %dma_start3A_138 = arith.constant 0 : i32
    %dma_start3A_139 = tpu.memref_slice %arg6[%dma_start3A_137, %dma_start3A_138] : memref<100x128xf32, #tpu.memory_space<vmem_shared>> -> memref<100x128xf32, #tpu.memory_space<vmem_shared>>
    tpu.enqueue_indirect_dma source(%dma_start3A_139 : memref<100x128xf32, #tpu.memory_space<vmem_shared>>) target(%dma_start3A_134 : memref<128x128xf32, #tpu.memory_space<vmem>>) offsets(%dma_start3A_136 : memref<128xi32, #tpu.memory_space<vmem>>) semaphore(%arg10 : memref<!tpu.dma_semaphore, #tpu.memory_space<semaphore_mem>>)
    %dma_start3A_140 = arith.constant 256 : i32
    %dma_start3A_141 = arith.constant 0 : i32
    %dma_start3A_142 = tpu.memref_slice %arg7[%dma_start3A_140, %dma_start3A_141] : memref<320x128xf32, #tpu.memory_space<vmem>> -> memref<64x128xf32, #tpu.memory_space<vmem>>
    %dma_start3A_143 = arith.constant 1216 : i32
    %dma_start3A_144 = tpu.memref_slice %arg5[%dma_start3A_143] : memref<3200xi32, #tpu.memory_space<vmem>> -> memref<64xi32, #tpu.memory_space<vmem>>
    %dma_start3A_145 = arith.constant 0 : i32
    %dma_start3A_146 = arith.constant 0 : i32
    %dma_start3A_147 = tpu.memref_slice %arg6[%dma_start3A_145, %dma_start3A_146] : memref<100x128xf32, #tpu.memory_space<vmem_shared>> -> memref<100x128xf32, #tpu.memory_space<vmem_shared>>
    tpu.enqueue_indirect_dma source(%dma_start3A_147 : memref<100x128xf32, #tpu.memory_space<vmem_shared>>) target(%dma_start3A_142 : memref<64x128xf32, #tpu.memory_space<vmem>>) offsets(%dma_start3A_144 : memref<64xi32, #tpu.memory_space<vmem>>) semaphore(%arg10 : memref<!tpu.dma_semaphore, #tpu.memory_space<semaphore_mem>>)
    %dma_wait3A_148 = arith.constant 0 : i32
    %dma_wait3A_149 = arith.constant 0 : i32
    %dma_wait3A_150 = tpu.memref_slice %arg4[%dma_wait3A_148, %dma_wait3A_149] : memref<100000x128xf32, #tpu.memory_space<hbm>> -> memref<320x128xf32, #tpu.memory_space<hbm>>
    %dma_wait3A_151 = arith.constant 0 : i32
    %dma_wait3A_152 = arith.constant 0 : i32
    %dma_wait3A_153 = tpu.memref_slice %arg4[%dma_wait3A_151, %dma_wait3A_152] : memref<100000x128xf32, #tpu.memory_space<hbm>> -> memref<320x128xf32, #tpu.memory_space<hbm>>
    tpu.wait_dma2 semaphore(%arg10 : memref<!tpu.dma_semaphore, #tpu.memory_space<semaphore_mem>>) src(%dma_wait3A_153 : memref<320x128xf32, #tpu.memory_space<hbm>>) dst(%arg7 : memref<320x128xf32, #tpu.memory_space<vmem>>)
    %add3A_154 = arith.constant 960 : i32
    %add3A_155 = arith.addi %min3A_3, %add3A_154 : i32
    %dma_start3A_156 = arith.constant 0 : i32
    %dma_start3A_157 = tpu.memref_slice %arg4[%add3A_155, %dma_start3A_156] : memref<100000x128xf32, #tpu.memory_space<hbm>> -> memref<320x128xf32, #tpu.memory_space<hbm>>
    %dma_start3A_158 = arith.constant 0 : i32
    %dma_start3A_159 = tpu.memref_slice %arg4[%add3A_155, %dma_start3A_158] : memref<100000x128xf32, #tpu.memory_space<hbm>> -> memref<320x128xf32, #tpu.memory_space<hbm>>
    tpu.enqueue_dma source(%arg7 : memref<320x128xf32, #tpu.memory_space<vmem>>) target(%dma_start3A_159 : memref<320x128xf32, #tpu.memory_space<hbm>>) target_semaphore(%arg13 : memref<!tpu.dma_semaphore, #tpu.memory_space<semaphore_mem>>)
    %dma_wait3A_160 = arith.constant 0 : i32
    %dma_wait3A_161 = tpu.memref_slice %arg4[%min3A_3, %dma_wait3A_160] : memref<100000x128xf32, #tpu.memory_space<hbm>> -> memref<320x128xf32, #tpu.memory_space<hbm>>
    %dma_wait3A_162 = arith.constant 0 : i32
    %dma_wait3A_163 = tpu.memref_slice %arg4[%min3A_3, %dma_wait3A_162] : memref<100000x128xf32, #tpu.memory_space<hbm>> -> memref<320x128xf32, #tpu.memory_space<hbm>>
    tpu.wait_dma2 semaphore(%arg14 : memref<!tpu.dma_semaphore, #tpu.memory_space<semaphore_mem>>) src(%arg8 : memref<320x128xf32, #tpu.memory_space<vmem>>) dst(%dma_wait3A_163 : memref<320x128xf32, #tpu.memory_space<hbm>>)
    %dma_start3A_164 = arith.constant 0 : i32
    %dma_start3A_165 = arith.constant 0 : i32
    %dma_start3A_166 = tpu.memref_slice %arg8[%dma_start3A_164, %dma_start3A_165] : memref<320x128xf32, #tpu.memory_space<vmem>> -> memref<128x128xf32, #tpu.memory_space<vmem>>
    %dma_start3A_167 = arith.constant 1280 : i32
    %dma_start3A_168 = tpu.memref_slice %arg5[%dma_start3A_167] : memref<3200xi32, #tpu.memory_space<vmem>> -> memref<128xi32, #tpu.memory_space<vmem>>
    %dma_start3A_169 = arith.constant 0 : i32
    %dma_start3A_170 = arith.constant 0 : i32
    %dma_start3A_171 = tpu.memref_slice %arg6[%dma_start3A_169, %dma_start3A_170] : memref<100x128xf32, #tpu.memory_space<vmem_shared>> -> memref<100x128xf32, #tpu.memory_space<vmem_shared>>
    tpu.enqueue_indirect_dma source(%dma_start3A_171 : memref<100x128xf32, #tpu.memory_space<vmem_shared>>) target(%dma_start3A_166 : memref<128x128xf32, #tpu.memory_space<vmem>>) offsets(%dma_start3A_168 : memref<128xi32, #tpu.memory_space<vmem>>) semaphore(%arg11 : memref<!tpu.dma_semaphore, #tpu.memory_space<semaphore_mem>>)
    %dma_start3A_172 = arith.constant 128 : i32
    %dma_start3A_173 = arith.constant 0 : i32
    %dma_start3A_174 = tpu.memref_slice %arg8[%dma_start3A_172, %dma_start3A_173] : memref<320x128xf32, #tpu.memory_space<vmem>> -> memref<128x128xf32, #tpu.memory_space<vmem>>
    %dma_start3A_175 = arith.constant 1408 : i32
    %dma_start3A_176 = tpu.memref_slice %arg5[%dma_start3A_175] : memref<3200xi32, #tpu.memory_space<vmem>> -> memref<128xi32, #tpu.memory_space<vmem>>
    %dma_start3A_177 = arith.constant 0 : i32
    %dma_start3A_178 = arith.constant 0 : i32
    %dma_start3A_179 = tpu.memref_slice %arg6[%dma_start3A_177, %dma_start3A_178] : memref<100x128xf32, #tpu.memory_space<vmem_shared>> -> memref<100x128xf32, #tpu.memory_space<vmem_shared>>
    tpu.enqueue_indirect_dma source(%dma_start3A_179 : memref<100x128xf32, #tpu.memory_space<vmem_shared>>) target(%dma_start3A_174 : memref<128x128xf32, #tpu.memory_space<vmem>>) offsets(%dma_start3A_176 : memref<128xi32, #tpu.memory_space<vmem>>) semaphore(%arg11 : memref<!tpu.dma_semaphore, #tpu.memory_space<semaphore_mem>>)
    %dma_start3A_180 = arith.constant 256 : i32
    %dma_start3A_181 = arith.constant 0 : i32
    %dma_start3A_182 = tpu.memref_slice %arg8[%dma_start3A_180, %dma_start3A_181] : memref<320x128xf32, #tpu.memory_space<vmem>> -> memref<64x128xf32, #tpu.memory_space<vmem>>
    %dma_start3A_183 = arith.constant 1536 : i32
    %dma_start3A_184 = tpu.memref_slice %arg5[%dma_start3A_183] : memref<3200xi32, #tpu.memory_space<vmem>> -> memref<64xi32, #tpu.memory_space<vmem>>
    %dma_start3A_185 = arith.constant 0 : i32
    %dma_start3A_186 = arith.constant 0 : i32
    %dma_start3A_187 = tpu.memref_slice %arg6[%dma_start3A_185, %dma_start3A_186] : memref<100x128xf32, #tpu.memory_space<vmem_shared>> -> memref<100x128xf32, #tpu.memory_space<vmem_shared>>
    tpu.enqueue_indirect_dma source(%dma_start3A_187 : memref<100x128xf32, #tpu.memory_space<vmem_shared>>) target(%dma_start3A_182 : memref<64x128xf32, #tpu.memory_space<vmem>>) offsets(%dma_start3A_184 : memref<64xi32, #tpu.memory_space<vmem>>) semaphore(%arg11 : memref<!tpu.dma_semaphore, #tpu.memory_space<semaphore_mem>>)
    %dma_wait3A_188 = arith.constant 0 : i32
    %dma_wait3A_189 = arith.constant 0 : i32
    %dma_wait3A_190 = tpu.memref_slice %arg4[%dma_wait3A_188, %dma_wait3A_189] : memref<100000x128xf32, #tpu.memory_space<hbm>> -> memref<320x128xf32, #tpu.memory_space<hbm>>
    %dma_wait3A_191 = arith.constant 0 : i32
    %dma_wait3A_192 = arith.constant 0 : i32
    %dma_wait3A_193 = tpu.memref_slice %arg4[%dma_wait3A_191, %dma_wait3A_192] : memref<100000x128xf32, #tpu.memory_space<hbm>> -> memref<320x128xf32, #tpu.memory_space<hbm>>
    tpu.wait_dma2 semaphore(%arg11 : memref<!tpu.dma_semaphore, #tpu.memory_space<semaphore_mem>>) src(%dma_wait3A_193 : memref<320x128xf32, #tpu.memory_space<hbm>>) dst(%arg8 : memref<320x128xf32, #tpu.memory_space<vmem>>)
    %add3A_194 = arith.constant 1280 : i32
    %add3A_195 = arith.addi %min3A_3, %add3A_194 : i32
    %dma_start3A_196 = arith.constant 0 : i32
    %dma_start3A_197 = tpu.memref_slice %arg4[%add3A_195, %dma_start3A_196] : memref<100000x128xf32, #tpu.memory_space<hbm>> -> memref<320x128xf32, #tpu.memory_space<hbm>>
    %dma_start3A_198 = arith.constant 0 : i32
    %dma_start3A_199 = tpu.memref_slice %arg4[%add3A_195, %dma_start3A_198] : memref<100000x128xf32, #tpu.memory_space<hbm>> -> memref<320x128xf32, #tpu.memory_space<hbm>>
    tpu.enqueue_dma source(%arg8 : memref<320x128xf32, #tpu.memory_space<vmem>>) target(%dma_start3A_199 : memref<320x128xf32, #tpu.memory_space<hbm>>) target_semaphore(%arg14 : memref<!tpu.dma_semaphore, #tpu.memory_space<semaphore_mem>>)
    %dma_wait3A_200 = arith.constant 0 : i32
    %dma_wait3A_201 = tpu.memref_slice %arg4[%min3A_3, %dma_wait3A_200] : memref<100000x128xf32, #tpu.memory_space<hbm>> -> memref<320x128xf32, #tpu.memory_space<hbm>>
    %dma_wait3A_202 = arith.constant 0 : i32
    %dma_wait3A_203 = tpu.memref_slice %arg4[%min3A_3, %dma_wait3A_202] : memref<100000x128xf32, #tpu.memory_space<hbm>> -> memref<320x128xf32, #tpu.memory_space<hbm>>
    tpu.wait_dma2 semaphore(%arg15 : memref<!tpu.dma_semaphore, #tpu.memory_space<semaphore_mem>>) src(%arg9 : memref<320x128xf32, #tpu.memory_space<vmem>>) dst(%dma_wait3A_203 : memref<320x128xf32, #tpu.memory_space<hbm>>)
    %dma_start3A_204 = arith.constant 0 : i32
    %dma_start3A_205 = arith.constant 0 : i32
    %dma_start3A_206 = tpu.memref_slice %arg9[%dma_start3A_204, %dma_start3A_205] : memref<320x128xf32, #tpu.memory_space<vmem>> -> memref<128x128xf32, #tpu.memory_space<vmem>>
    %dma_start3A_207 = arith.constant 1600 : i32
    %dma_start3A_208 = tpu.memref_slice %arg5[%dma_start3A_207] : memref<3200xi32, #tpu.memory_space<vmem>> -> memref<128xi32, #tpu.memory_space<vmem>>
    %dma_start3A_209 = arith.constant 0 : i32
    %dma_start3A_210 = arith.constant 0 : i32
    %dma_start3A_211 = tpu.memref_slice %arg6[%dma_start3A_209, %dma_start3A_210] : memref<100x128xf32, #tpu.memory_space<vmem_shared>> -> memref<100x128xf32, #tpu.memory_space<vmem_shared>>
    tpu.enqueue_indirect_dma source(%dma_start3A_211 : memref<100x128xf32, #tpu.memory_space<vmem_shared>>) target(%dma_start3A_206 : memref<128x128xf32, #tpu.memory_space<vmem>>) offsets(%dma_start3A_208 : memref<128xi32, #tpu.memory_space<vmem>>) semaphore(%arg12 : memref<!tpu.dma_semaphore, #tpu.memory_space<semaphore_mem>>)
    %dma_start3A_212 = arith.constant 128 : i32
    %dma_start3A_213 = arith.constant 0 : i32
    %dma_start3A_214 = tpu.memref_slice %arg9[%dma_start3A_212, %dma_start3A_213] : memref<320x128xf32, #tpu.memory_space<vmem>> -> memref<128x128xf32, #tpu.memory_space<vmem>>
    %dma_start3A_215 = arith.constant 1728 : i32
    %dma_start3A_216 = tpu.memref_slice %arg5[%dma_start3A_215] : memref<3200xi32, #tpu.memory_space<vmem>> -> memref<128xi32, #tpu.memory_space<vmem>>
    %dma_start3A_217 = arith.constant 0 : i32
    %dma_start3A_218 = arith.constant 0 : i32
    %dma_start3A_219 = tpu.memref_slice %arg6[%dma_start3A_217, %dma_start3A_218] : memref<100x128xf32, #tpu.memory_space<vmem_shared>> -> memref<100x128xf32, #tpu.memory_space<vmem_shared>>
    tpu.enqueue_indirect_dma source(%dma_start3A_219 : memref<100x128xf32, #tpu.memory_space<vmem_shared>>) target(%dma_start3A_214 : memref<128x128xf32, #tpu.memory_space<vmem>>) offsets(%dma_start3A_216 : memref<128xi32, #tpu.memory_space<vmem>>) semaphore(%arg12 : memref<!tpu.dma_semaphore, #tpu.memory_space<semaphore_mem>>)
    %dma_start3A_220 = arith.constant 256 : i32
    %dma_start3A_221 = arith.constant 0 : i32
    %dma_start3A_222 = tpu.memref_slice %arg9[%dma_start3A_220, %dma_start3A_221] : memref<320x128xf32, #tpu.memory_space<vmem>> -> memref<64x128xf32, #tpu.memory_space<vmem>>
    %dma_start3A_223 = arith.constant 1856 : i32
    %dma_start3A_224 = tpu.memref_slice %arg5[%dma_start3A_223] : memref<3200xi32, #tpu.memory_space<vmem>> -> memref<64xi32, #tpu.memory_space<vmem>>
    %dma_start3A_225 = arith.constant 0 : i32
    %dma_start3A_226 = arith.constant 0 : i32
    %dma_start3A_227 = tpu.memref_slice %arg6[%dma_start3A_225, %dma_start3A_226] : memref<100x128xf32, #tpu.memory_space<vmem_shared>> -> memref<100x128xf32, #tpu.memory_space<vmem_shared>>
    tpu.enqueue_indirect_dma source(%dma_start3A_227 : memref<100x128xf32, #tpu.memory_space<vmem_shared>>) target(%dma_start3A_222 : memref<64x128xf32, #tpu.memory_space<vmem>>) offsets(%dma_start3A_224 : memref<64xi32, #tpu.memory_space<vmem>>) semaphore(%arg12 : memref<!tpu.dma_semaphore, #tpu.memory_space<semaphore_mem>>)
    %dma_wait3A_228 = arith.constant 0 : i32
    %dma_wait3A_229 = arith.constant 0 : i32
    %dma_wait3A_230 = tpu.memref_slice %arg4[%dma_wait3A_228, %dma_wait3A_229] : memref<100000x128xf32, #tpu.memory_space<hbm>> -> memref<320x128xf32, #tpu.memory_space<hbm>>
    %dma_wait3A_231 = arith.constant 0 : i32
    %dma_wait3A_232 = arith.constant 0 : i32
    %dma_wait3A_233 = tpu.memref_slice %arg4[%dma_wait3A_231, %dma_wait3A_232] : memref<100000x128xf32, #tpu.memory_space<hbm>> -> memref<320x128xf32, #tpu.memory_space<hbm>>
    tpu.wait_dma2 semaphore(%arg12 : memref<!tpu.dma_semaphore, #tpu.memory_space<semaphore_mem>>) src(%dma_wait3A_233 : memref<320x128xf32, #tpu.memory_space<hbm>>) dst(%arg9 : memref<320x128xf32, #tpu.memory_space<vmem>>)
    %add3A_234 = arith.constant 1600 : i32
    %add3A_235 = arith.addi %min3A_3, %add3A_234 : i32
    %dma_start3A_236 = arith.constant 0 : i32
    %dma_start3A_237 = tpu.memref_slice %arg4[%add3A_235, %dma_start3A_236] : memref<100000x128xf32, #tpu.memory_space<hbm>> -> memref<320x128xf32, #tpu.memory_space<hbm>>
    %dma_start3A_238 = arith.constant 0 : i32
    %dma_start3A_239 = tpu.memref_slice %arg4[%add3A_235, %dma_start3A_238] : memref<100000x128xf32, #tpu.memory_space<hbm>> -> memref<320x128xf32, #tpu.memory_space<hbm>>
    tpu.enqueue_dma source(%arg9 : memref<320x128xf32, #tpu.memory_space<vmem>>) target(%dma_start3A_239 : memref<320x128xf32, #tpu.memory_space<hbm>>) target_semaphore(%arg15 : memref<!tpu.dma_semaphore, #tpu.memory_space<semaphore_mem>>)
    %dma_wait3A_240 = arith.constant 0 : i32
    %dma_wait3A_241 = tpu.memref_slice %arg4[%min3A_3, %dma_wait3A_240] : memref<100000x128xf32, #tpu.memory_space<hbm>> -> memref<320x128xf32, #tpu.memory_space<hbm>>
    %dma_wait3A_242 = arith.constant 0 : i32
    %dma_wait3A_243 = tpu.memref_slice %arg4[%min3A_3, %dma_wait3A_242] : memref<100000x128xf32, #tpu.memory_space<hbm>> -> memref<320x128xf32, #tpu.memory_space<hbm>>
    tpu.wait_dma2 semaphore(%arg13 : memref<!tpu.dma_semaphore, #tpu.memory_space<semaphore_mem>>) src(%arg7 : memref<320x128xf32, #tpu.memory_space<vmem>>) dst(%dma_wait3A_243 : memref<320x128xf32, #tpu.memory_space<hbm>>)
    %dma_start3A_244 = arith.constant 0 : i32
    %dma_start3A_245 = arith.constant 0 : i32
    %dma_start3A_246 = tpu.memref_slice %arg7[%dma_start3A_244, %dma_start3A_245] : memref<320x128xf32, #tpu.memory_space<vmem>> -> memref<128x128xf32, #tpu.memory_space<vmem>>
    %dma_start3A_247 = arith.constant 1920 : i32
    %dma_start3A_248 = tpu.memref_slice %arg5[%dma_start3A_247] : memref<3200xi32, #tpu.memory_space<vmem>> -> memref<128xi32, #tpu.memory_space<vmem>>
    %dma_start3A_249 = arith.constant 0 : i32
    %dma_start3A_250 = arith.constant 0 : i32
    %dma_start3A_251 = tpu.memref_slice %arg6[%dma_start3A_249, %dma_start3A_250] : memref<100x128xf32, #tpu.memory_space<vmem_shared>> -> memref<100x128xf32, #tpu.memory_space<vmem_shared>>
    tpu.enqueue_indirect_dma source(%dma_start3A_251 : memref<100x128xf32, #tpu.memory_space<vmem_shared>>) target(%dma_start3A_246 : memref<128x128xf32, #tpu.memory_space<vmem>>) offsets(%dma_start3A_248 : memref<128xi32, #tpu.memory_space<vmem>>) semaphore(%arg10 : memref<!tpu.dma_semaphore, #tpu.memory_space<semaphore_mem>>)
    %dma_start3A_252 = arith.constant 128 : i32
    %dma_start3A_253 = arith.constant 0 : i32
    %dma_start3A_254 = tpu.memref_slice %arg7[%dma_start3A_252, %dma_start3A_253] : memref<320x128xf32, #tpu.memory_space<vmem>> -> memref<128x128xf32, #tpu.memory_space<vmem>>
    %dma_start3A_255 = arith.constant 2048 : i32
    %dma_start3A_256 = tpu.memref_slice %arg5[%dma_start3A_255] : memref<3200xi32, #tpu.memory_space<vmem>> -> memref<128xi32, #tpu.memory_space<vmem>>
    %dma_start3A_257 = arith.constant 0 : i32
    %dma_start3A_258 = arith.constant 0 : i32
    %dma_start3A_259 = tpu.memref_slice %arg6[%dma_start3A_257, %dma_start3A_258] : memref<100x128xf32, #tpu.memory_space<vmem_shared>> -> memref<100x128xf32, #tpu.memory_space<vmem_shared>>
    tpu.enqueue_indirect_dma source(%dma_start3A_259 : memref<100x128xf32, #tpu.memory_space<vmem_shared>>) target(%dma_start3A_254 : memref<128x128xf32, #tpu.memory_space<vmem>>) offsets(%dma_start3A_256 : memref<128xi32, #tpu.memory_space<vmem>>) semaphore(%arg10 : memref<!tpu.dma_semaphore, #tpu.memory_space<semaphore_mem>>)
    %dma_start3A_260 = arith.constant 256 : i32
    %dma_start3A_261 = arith.constant 0 : i32
    %dma_start3A_262 = tpu.memref_slice %arg7[%dma_start3A_260, %dma_start3A_261] : memref<320x128xf32, #tpu.memory_space<vmem>> -> memref<64x128xf32, #tpu.memory_space<vmem>>
    %dma_start3A_263 = arith.constant 2176 : i32
    %dma_start3A_264 = tpu.memref_slice %arg5[%dma_start3A_263] : memref<3200xi32, #tpu.memory_space<vmem>> -> memref<64xi32, #tpu.memory_space<vmem>>
    %dma_start3A_265 = arith.constant 0 : i32
    %dma_start3A_266 = arith.constant 0 : i32
    %dma_start3A_267 = tpu.memref_slice %arg6[%dma_start3A_265, %dma_start3A_266] : memref<100x128xf32, #tpu.memory_space<vmem_shared>> -> memref<100x128xf32, #tpu.memory_space<vmem_shared>>
    tpu.enqueue_indirect_dma source(%dma_start3A_267 : memref<100x128xf32, #tpu.memory_space<vmem_shared>>) target(%dma_start3A_262 : memref<64x128xf32, #tpu.memory_space<vmem>>) offsets(%dma_start3A_264 : memref<64xi32, #tpu.memory_space<vmem>>) semaphore(%arg10 : memref<!tpu.dma_semaphore, #tpu.memory_space<semaphore_mem>>)
    %dma_wait3A_268 = arith.constant 0 : i32
    %dma_wait3A_269 = arith.constant 0 : i32
    %dma_wait3A_270 = tpu.memref_slice %arg4[%dma_wait3A_268, %dma_wait3A_269] : memref<100000x128xf32, #tpu.memory_space<hbm>> -> memref<320x128xf32, #tpu.memory_space<hbm>>
    %dma_wait3A_271 = arith.constant 0 : i32
    %dma_wait3A_272 = arith.constant 0 : i32
    %dma_wait3A_273 = tpu.memref_slice %arg4[%dma_wait3A_271, %dma_wait3A_272] : memref<100000x128xf32, #tpu.memory_space<hbm>> -> memref<320x128xf32, #tpu.memory_space<hbm>>
    tpu.wait_dma2 semaphore(%arg10 : memref<!tpu.dma_semaphore, #tpu.memory_space<semaphore_mem>>) src(%dma_wait3A_273 : memref<320x128xf32, #tpu.memory_space<hbm>>) dst(%arg7 : memref<320x128xf32, #tpu.memory_space<vmem>>)
    %add3A_274 = arith.constant 1920 : i32
    %add3A_275 = arith.addi %min3A_3, %add3A_274 : i32
    %dma_start3A_276 = arith.constant 0 : i32
    %dma_start3A_277 = tpu.memref_slice %arg4[%add3A_275, %dma_start3A_276] : memref<100000x128xf32, #tpu.memory_space<hbm>> -> memref<320x128xf32, #tpu.memory_space<hbm>>
    %dma_start3A_278 = arith.constant 0 : i32
    %dma_start3A_279 = tpu.memref_slice %arg4[%add3A_275, %dma_start3A_278] : memref<100000x128xf32, #tpu.memory_space<hbm>> -> memref<320x128xf32, #tpu.memory_space<hbm>>
    tpu.enqueue_dma source(%arg7 : memref<320x128xf32, #tpu.memory_space<vmem>>) target(%dma_start3A_279 : memref<320x128xf32, #tpu.memory_space<hbm>>) target_semaphore(%arg13 : memref<!tpu.dma_semaphore, #tpu.memory_space<semaphore_mem>>)
    %dma_wait3A_280 = arith.constant 0 : i32
    %dma_wait3A_281 = tpu.memref_slice %arg4[%min3A_3, %dma_wait3A_280] : memref<100000x128xf32, #tpu.memory_space<hbm>> -> memref<320x128xf32, #tpu.memory_space<hbm>>
    %dma_wait3A_282 = arith.constant 0 : i32
    %dma_wait3A_283 = tpu.memref_slice %arg4[%min3A_3, %dma_wait3A_282] : memref<100000x128xf32, #tpu.memory_space<hbm>> -> memref<320x128xf32, #tpu.memory_space<hbm>>
    tpu.wait_dma2 semaphore(%arg14 : memref<!tpu.dma_semaphore, #tpu.memory_space<semaphore_mem>>) src(%arg8 : memref<320x128xf32, #tpu.memory_space<vmem>>) dst(%dma_wait3A_283 : memref<320x128xf32, #tpu.memory_space<hbm>>)
    %dma_start3A_284 = arith.constant 0 : i32
    %dma_start3A_285 = arith.constant 0 : i32
    %dma_start3A_286 = tpu.memref_slice %arg8[%dma_start3A_284, %dma_start3A_285] : memref<320x128xf32, #tpu.memory_space<vmem>> -> memref<128x128xf32, #tpu.memory_space<vmem>>
    %dma_start3A_287 = arith.constant 2240 : i32
    %dma_start3A_288 = tpu.memref_slice %arg5[%dma_start3A_287] : memref<3200xi32, #tpu.memory_space<vmem>> -> memref<128xi32, #tpu.memory_space<vmem>>
    %dma_start3A_289 = arith.constant 0 : i32
    %dma_start3A_290 = arith.constant 0 : i32
    %dma_start3A_291 = tpu.memref_slice %arg6[%dma_start3A_289, %dma_start3A_290] : memref<100x128xf32, #tpu.memory_space<vmem_shared>> -> memref<100x128xf32, #tpu.memory_space<vmem_shared>>
    tpu.enqueue_indirect_dma source(%dma_start3A_291 : memref<100x128xf32, #tpu.memory_space<vmem_shared>>) target(%dma_start3A_286 : memref<128x128xf32, #tpu.memory_space<vmem>>) offsets(%dma_start3A_288 : memref<128xi32, #tpu.memory_space<vmem>>) semaphore(%arg11 : memref<!tpu.dma_semaphore, #tpu.memory_space<semaphore_mem>>)
    %dma_start3A_292 = arith.constant 128 : i32
    %dma_start3A_293 = arith.constant 0 : i32
    %dma_start3A_294 = tpu.memref_slice %arg8[%dma_start3A_292, %dma_start3A_293] : memref<320x128xf32, #tpu.memory_space<vmem>> -> memref<128x128xf32, #tpu.memory_space<vmem>>
    %dma_start3A_295 = arith.constant 2368 : i32
    %dma_start3A_296 = tpu.memref_slice %arg5[%dma_start3A_295] : memref<3200xi32, #tpu.memory_space<vmem>> -> memref<128xi32, #tpu.memory_space<vmem>>
    %dma_start3A_297 = arith.constant 0 : i32
    %dma_start3A_298 = arith.constant 0 : i32
    %dma_start3A_299 = tpu.memref_slice %arg6[%dma_start3A_297, %dma_start3A_298] : memref<100x128xf32, #tpu.memory_space<vmem_shared>> -> memref<100x128xf32, #tpu.memory_space<vmem_shared>>
    tpu.enqueue_indirect_dma source(%dma_start3A_299 : memref<100x128xf32, #tpu.memory_space<vmem_shared>>) target(%dma_start3A_294 : memref<128x128xf32, #tpu.memory_space<vmem>>) offsets(%dma_start3A_296 : memref<128xi32, #tpu.memory_space<vmem>>) semaphore(%arg11 : memref<!tpu.dma_semaphore, #tpu.memory_space<semaphore_mem>>)
    %dma_start3A_300 = arith.constant 256 : i32
    %dma_start3A_301 = arith.constant 0 : i32
    %dma_start3A_302 = tpu.memref_slice %arg8[%dma_start3A_300, %dma_start3A_301] : memref<320x128xf32, #tpu.memory_space<vmem>> -> memref<64x128xf32, #tpu.memory_space<vmem>>
    %dma_start3A_303 = arith.constant 2496 : i32
    %dma_start3A_304 = tpu.memref_slice %arg5[%dma_start3A_303] : memref<3200xi32, #tpu.memory_space<vmem>> -> memref<64xi32, #tpu.memory_space<vmem>>
    %dma_start3A_305 = arith.constant 0 : i32
    %dma_start3A_306 = arith.constant 0 : i32
    %dma_start3A_307 = tpu.memref_slice %arg6[%dma_start3A_305, %dma_start3A_306] : memref<100x128xf32, #tpu.memory_space<vmem_shared>> -> memref<100x128xf32, #tpu.memory_space<vmem_shared>>
    tpu.enqueue_indirect_dma source(%dma_start3A_307 : memref<100x128xf32, #tpu.memory_space<vmem_shared>>) target(%dma_start3A_302 : memref<64x128xf32, #tpu.memory_space<vmem>>) offsets(%dma_start3A_304 : memref<64xi32, #tpu.memory_space<vmem>>) semaphore(%arg11 : memref<!tpu.dma_semaphore, #tpu.memory_space<semaphore_mem>>)
    %dma_wait3A_308 = arith.constant 0 : i32
    %dma_wait3A_309 = arith.constant 0 : i32
    %dma_wait3A_310 = tpu.memref_slice %arg4[%dma_wait3A_308, %dma_wait3A_309] : memref<100000x128xf32, #tpu.memory_space<hbm>> -> memref<320x128xf32, #tpu.memory_space<hbm>>
    %dma_wait3A_311 = arith.constant 0 : i32
    %dma_wait3A_312 = arith.constant 0 : i32
    %dma_wait3A_313 = tpu.memref_slice %arg4[%dma_wait3A_311, %dma_wait3A_312] : memref<100000x128xf32, #tpu.memory_space<hbm>> -> memref<320x128xf32, #tpu.memory_space<hbm>>
    tpu.wait_dma2 semaphore(%arg11 : memref<!tpu.dma_semaphore, #tpu.memory_space<semaphore_mem>>) src(%dma_wait3A_313 : memref<320x128xf32, #tpu.memory_space<hbm>>) dst(%arg8 : memref<320x128xf32, #tpu.memory_space<vmem>>)
    %add3A_314 = arith.constant 2240 : i32
    %add3A_315 = arith.addi %min3A_3, %add3A_314 : i32
    %dma_start3A_316 = arith.constant 0 : i32
    %dma_start3A_317 = tpu.memref_slice %arg4[%add3A_315, %dma_start3A_316] : memref<100000x128xf32, #tpu.memory_space<hbm>> -> memref<320x128xf32, #tpu.memory_space<hbm>>
    %dma_start3A_318 = arith.constant 0 : i32
    %dma_start3A_319 = tpu.memref_slice %arg4[%add3A_315, %dma_start3A_318] : memref<100000x128xf32, #tpu.memory_space<hbm>> -> memref<320x128xf32, #tpu.memory_space<hbm>>
    tpu.enqueue_dma source(%arg8 : memref<320x128xf32, #tpu.memory_space<vmem>>) target(%dma_start3A_319 : memref<320x128xf32, #tpu.memory_space<hbm>>) target_semaphore(%arg14 : memref<!tpu.dma_semaphore, #tpu.memory_space<semaphore_mem>>)
    %dma_wait3A_320 = arith.constant 0 : i32
    %dma_wait3A_321 = tpu.memref_slice %arg4[%min3A_3, %dma_wait3A_320] : memref<100000x128xf32, #tpu.memory_space<hbm>> -> memref<320x128xf32, #tpu.memory_space<hbm>>
    %dma_wait3A_322 = arith.constant 0 : i32
    %dma_wait3A_323 = tpu.memref_slice %arg4[%min3A_3, %dma_wait3A_322] : memref<100000x128xf32, #tpu.memory_space<hbm>> -> memref<320x128xf32, #tpu.memory_space<hbm>>
    tpu.wait_dma2 semaphore(%arg15 : memref<!tpu.dma_semaphore, #tpu.memory_space<semaphore_mem>>) src(%arg9 : memref<320x128xf32, #tpu.memory_space<vmem>>) dst(%dma_wait3A_323 : memref<320x128xf32, #tpu.memory_space<hbm>>)
    %dma_start3A_324 = arith.constant 0 : i32
    %dma_start3A_325 = arith.constant 0 : i32
    %dma_start3A_326 = tpu.memref_slice %arg9[%dma_start3A_324, %dma_start3A_325] : memref<320x128xf32, #tpu.memory_space<vmem>> -> memref<128x128xf32, #tpu.memory_space<vmem>>
    %dma_start3A_327 = arith.constant 2560 : i32
    %dma_start3A_328 = tpu.memref_slice %arg5[%dma_start3A_327] : memref<3200xi32, #tpu.memory_space<vmem>> -> memref<128xi32, #tpu.memory_space<vmem>>
    %dma_start3A_329 = arith.constant 0 : i32
    %dma_start3A_330 = arith.constant 0 : i32
    %dma_start3A_331 = tpu.memref_slice %arg6[%dma_start3A_329, %dma_start3A_330] : memref<100x128xf32, #tpu.memory_space<vmem_shared>> -> memref<100x128xf32, #tpu.memory_space<vmem_shared>>
    tpu.enqueue_indirect_dma source(%dma_start3A_331 : memref<100x128xf32, #tpu.memory_space<vmem_shared>>) target(%dma_start3A_326 : memref<128x128xf32, #tpu.memory_space<vmem>>) offsets(%dma_start3A_328 : memref<128xi32, #tpu.memory_space<vmem>>) semaphore(%arg12 : memref<!tpu.dma_semaphore, #tpu.memory_space<semaphore_mem>>)
    %dma_start3A_332 = arith.constant 128 : i32
    %dma_start3A_333 = arith.constant 0 : i32
    %dma_start3A_334 = tpu.memref_slice %arg9[%dma_start3A_332, %dma_start3A_333] : memref<320x128xf32, #tpu.memory_space<vmem>> -> memref<128x128xf32, #tpu.memory_space<vmem>>
    %dma_start3A_335 = arith.constant 2688 : i32
    %dma_start3A_336 = tpu.memref_slice %arg5[%dma_start3A_335] : memref<3200xi32, #tpu.memory_space<vmem>> -> memref<128xi32, #tpu.memory_space<vmem>>
    %dma_start3A_337 = arith.constant 0 : i32
    %dma_start3A_338 = arith.constant 0 : i32
    %dma_start3A_339 = tpu.memref_slice %arg6[%dma_start3A_337, %dma_start3A_338] : memref<100x128xf32, #tpu.memory_space<vmem_shared>> -> memref<100x128xf32, #tpu.memory_space<vmem_shared>>
    tpu.enqueue_indirect_dma source(%dma_start3A_339 : memref<100x128xf32, #tpu.memory_space<vmem_shared>>) target(%dma_start3A_334 : memref<128x128xf32, #tpu.memory_space<vmem>>) offsets(%dma_start3A_336 : memref<128xi32, #tpu.memory_space<vmem>>) semaphore(%arg12 : memref<!tpu.dma_semaphore, #tpu.memory_space<semaphore_mem>>)
    %dma_start3A_340 = arith.constant 256 : i32
    %dma_start3A_341 = arith.constant 0 : i32
    %dma_start3A_342 = tpu.memref_slice %arg9[%dma_start3A_340, %dma_start3A_341] : memref<320x128xf32, #tpu.memory_space<vmem>> -> memref<64x128xf32, #tpu.memory_space<vmem>>
    %dma_start3A_343 = arith.constant 2816 : i32
    %dma_start3A_344 = tpu.memref_slice %arg5[%dma_start3A_343] : memref<3200xi32, #tpu.memory_space<vmem>> -> memref<64xi32, #tpu.memory_space<vmem>>
    %dma_start3A_345 = arith.constant 0 : i32
    %dma_start3A_346 = arith.constant 0 : i32
    %dma_start3A_347 = tpu.memref_slice %arg6[%dma_start3A_345, %dma_start3A_346] : memref<100x128xf32, #tpu.memory_space<vmem_shared>> -> memref<100x128xf32, #tpu.memory_space<vmem_shared>>
    tpu.enqueue_indirect_dma source(%dma_start3A_347 : memref<100x128xf32, #tpu.memory_space<vmem_shared>>) target(%dma_start3A_342 : memref<64x128xf32, #tpu.memory_space<vmem>>) offsets(%dma_start3A_344 : memref<64xi32, #tpu.memory_space<vmem>>) semaphore(%arg12 : memref<!tpu.dma_semaphore, #tpu.memory_space<semaphore_mem>>)
    %dma_wait3A_348 = arith.constant 0 : i32
    %dma_wait3A_349 = arith.constant 0 : i32
    %dma_wait3A_350 = tpu.memref_slice %arg4[%dma_wait3A_348, %dma_wait3A_349] : memref<100000x128xf32, #tpu.memory_space<hbm>> -> memref<320x128xf32, #tpu.memory_space<hbm>>
    %dma_wait3A_351 = arith.constant 0 : i32
    %dma_wait3A_352 = arith.constant 0 : i32
    %dma_wait3A_353 = tpu.memref_slice %arg4[%dma_wait3A_351, %dma_wait3A_352] : memref<100000x128xf32, #tpu.memory_space<hbm>> -> memref<320x128xf32, #tpu.memory_space<hbm>>
    tpu.wait_dma2 semaphore(%arg12 : memref<!tpu.dma_semaphore, #tpu.memory_space<semaphore_mem>>) src(%dma_wait3A_353 : memref<320x128xf32, #tpu.memory_space<hbm>>) dst(%arg9 : memref<320x128xf32, #tpu.memory_space<vmem>>)
    %add3A_354 = arith.constant 2560 : i32
    %add3A_355 = arith.addi %min3A_3, %add3A_354 : i32
    %dma_start3A_356 = arith.constant 0 : i32
    %dma_start3A_357 = tpu.memref_slice %arg4[%add3A_355, %dma_start3A_356] : memref<100000x128xf32, #tpu.memory_space<hbm>> -> memref<320x128xf32, #tpu.memory_space<hbm>>
    %dma_start3A_358 = arith.constant 0 : i32
    %dma_start3A_359 = tpu.memref_slice %arg4[%add3A_355, %dma_start3A_358] : memref<100000x128xf32, #tpu.memory_space<hbm>> -> memref<320x128xf32, #tpu.memory_space<hbm>>
    tpu.enqueue_dma source(%arg9 : memref<320x128xf32, #tpu.memory_space<vmem>>) target(%dma_start3A_359 : memref<320x128xf32, #tpu.memory_space<hbm>>) target_semaphore(%arg15 : memref<!tpu.dma_semaphore, #tpu.memory_space<semaphore_mem>>)
    %dma_wait3A_360 = arith.constant 0 : i32
    %dma_wait3A_361 = tpu.memref_slice %arg4[%min3A_3, %dma_wait3A_360] : memref<100000x128xf32, #tpu.memory_space<hbm>> -> memref<320x128xf32, #tpu.memory_space<hbm>>
    %dma_wait3A_362 = arith.constant 0 : i32
    %dma_wait3A_363 = tpu.memref_slice %arg4[%min3A_3, %dma_wait3A_362] : memref<100000x128xf32, #tpu.memory_space<hbm>> -> memref<320x128xf32, #tpu.memory_space<hbm>>
    tpu.wait_dma2 semaphore(%arg13 : memref<!tpu.dma_semaphore, #tpu.memory_space<semaphore_mem>>) src(%arg7 : memref<320x128xf32, #tpu.memory_space<vmem>>) dst(%dma_wait3A_363 : memref<320x128xf32, #tpu.memory_space<hbm>>)
    %dma_start3A_364 = arith.constant 0 : i32
    %dma_start3A_365 = arith.constant 0 : i32
    %dma_start3A_366 = tpu.memref_slice %arg7[%dma_start3A_364, %dma_start3A_365] : memref<320x128xf32, #tpu.memory_space<vmem>> -> memref<128x128xf32, #tpu.memory_space<vmem>>
    %dma_start3A_367 = arith.constant 2880 : i32
    %dma_start3A_368 = tpu.memref_slice %arg5[%dma_start3A_367] : memref<3200xi32, #tpu.memory_space<vmem>> -> memref<128xi32, #tpu.memory_space<vmem>>
    %dma_start3A_369 = arith.constant 0 : i32
    %dma_start3A_370 = arith.constant 0 : i32
    %dma_start3A_371 = tpu.memref_slice %arg6[%dma_start3A_369, %dma_start3A_370] : memref<100x128xf32, #tpu.memory_space<vmem_shared>> -> memref<100x128xf32, #tpu.memory_space<vmem_shared>>
    tpu.enqueue_indirect_dma source(%dma_start3A_371 : memref<100x128xf32, #tpu.memory_space<vmem_shared>>) target(%dma_start3A_366 : memref<128x128xf32, #tpu.memory_space<vmem>>) offsets(%dma_start3A_368 : memref<128xi32, #tpu.memory_space<vmem>>) semaphore(%arg10 : memref<!tpu.dma_semaphore, #tpu.memory_space<semaphore_mem>>)
    %dma_start3A_372 = arith.constant 128 : i32
    %dma_start3A_373 = arith.constant 0 : i32
    %dma_start3A_374 = tpu.memref_slice %arg7[%dma_start3A_372, %dma_start3A_373] : memref<320x128xf32, #tpu.memory_space<vmem>> -> memref<128x128xf32, #tpu.memory_space<vmem>>
    %dma_start3A_375 = arith.constant 3008 : i32
    %dma_start3A_376 = tpu.memref_slice %arg5[%dma_start3A_375] : memref<3200xi32, #tpu.memory_space<vmem>> -> memref<128xi32, #tpu.memory_space<vmem>>
    %dma_start3A_377 = arith.constant 0 : i32
    %dma_start3A_378 = arith.constant 0 : i32
    %dma_start3A_379 = tpu.memref_slice %arg6[%dma_start3A_377, %dma_start3A_378] : memref<100x128xf32, #tpu.memory_space<vmem_shared>> -> memref<100x128xf32, #tpu.memory_space<vmem_shared>>
    tpu.enqueue_indirect_dma source(%dma_start3A_379 : memref<100x128xf32, #tpu.memory_space<vmem_shared>>) target(%dma_start3A_374 : memref<128x128xf32, #tpu.memory_space<vmem>>) offsets(%dma_start3A_376 : memref<128xi32, #tpu.memory_space<vmem>>) semaphore(%arg10 : memref<!tpu.dma_semaphore, #tpu.memory_space<semaphore_mem>>)
    %dma_start3A_380 = arith.constant 256 : i32
    %dma_start3A_381 = arith.constant 0 : i32
    %dma_start3A_382 = tpu.memref_slice %arg7[%dma_start3A_380, %dma_start3A_381] : memref<320x128xf32, #tpu.memory_space<vmem>> -> memref<64x128xf32, #tpu.memory_space<vmem>>
    %dma_start3A_383 = arith.constant 3136 : i32
    %dma_start3A_384 = tpu.memref_slice %arg5[%dma_start3A_383] : memref<3200xi32, #tpu.memory_space<vmem>> -> memref<64xi32, #tpu.memory_space<vmem>>
    %dma_start3A_385 = arith.constant 0 : i32
    %dma_start3A_386 = arith.constant 0 : i32
    %dma_start3A_387 = tpu.memref_slice %arg6[%dma_start3A_385, %dma_start3A_386] : memref<100x128xf32, #tpu.memory_space<vmem_shared>> -> memref<100x128xf32, #tpu.memory_space<vmem_shared>>
    tpu.enqueue_indirect_dma source(%dma_start3A_387 : memref<100x128xf32, #tpu.memory_space<vmem_shared>>) target(%dma_start3A_382 : memref<64x128xf32, #tpu.memory_space<vmem>>) offsets(%dma_start3A_384 : memref<64xi32, #tpu.memory_space<vmem>>) semaphore(%arg10 : memref<!tpu.dma_semaphore, #tpu.memory_space<semaphore_mem>>)
    %dma_wait3A_388 = arith.constant 0 : i32
    %dma_wait3A_389 = arith.constant 0 : i32
    %dma_wait3A_390 = tpu.memref_slice %arg4[%dma_wait3A_388, %dma_wait3A_389] : memref<100000x128xf32, #tpu.memory_space<hbm>> -> memref<320x128xf32, #tpu.memory_space<hbm>>
    %dma_wait3A_391 = arith.constant 0 : i32
    %dma_wait3A_392 = arith.constant 0 : i32
    %dma_wait3A_393 = tpu.memref_slice %arg4[%dma_wait3A_391, %dma_wait3A_392] : memref<100000x128xf32, #tpu.memory_space<hbm>> -> memref<320x128xf32, #tpu.memory_space<hbm>>
    tpu.wait_dma2 semaphore(%arg10 : memref<!tpu.dma_semaphore, #tpu.memory_space<semaphore_mem>>) src(%dma_wait3A_393 : memref<320x128xf32, #tpu.memory_space<hbm>>) dst(%arg7 : memref<320x128xf32, #tpu.memory_space<vmem>>)
    %add3A_394 = arith.constant 2880 : i32
    %add3A_395 = arith.addi %min3A_3, %add3A_394 : i32
    %dma_start3A_396 = arith.constant 0 : i32
    %dma_start3A_397 = tpu.memref_slice %arg4[%add3A_395, %dma_start3A_396] : memref<100000x128xf32, #tpu.memory_space<hbm>> -> memref<320x128xf32, #tpu.memory_space<hbm>>
    %dma_start3A_398 = arith.constant 0 : i32
    %dma_start3A_399 = tpu.memref_slice %arg4[%add3A_395, %dma_start3A_398] : memref<100000x128xf32, #tpu.memory_space<hbm>> -> memref<320x128xf32, #tpu.memory_space<hbm>>
    tpu.enqueue_dma source(%arg7 : memref<320x128xf32, #tpu.memory_space<vmem>>) target(%dma_start3A_399 : memref<320x128xf32, #tpu.memory_space<hbm>>) target_semaphore(%arg13 : memref<!tpu.dma_semaphore, #tpu.memory_space<semaphore_mem>>)
    %dma_wait3A_400 = arith.constant 0 : i32
    %dma_wait3A_401 = tpu.memref_slice %arg4[%min3A_3, %dma_wait3A_400] : memref<100000x128xf32, #tpu.memory_space<hbm>> -> memref<320x128xf32, #tpu.memory_space<hbm>>
    %dma_wait3A_402 = arith.constant 0 : i32
    %dma_wait3A_403 = tpu.memref_slice %arg4[%min3A_3, %dma_wait3A_402] : memref<100000x128xf32, #tpu.memory_space<hbm>> -> memref<320x128xf32, #tpu.memory_space<hbm>>
    tpu.wait_dma2 semaphore(%arg14 : memref<!tpu.dma_semaphore, #tpu.memory_space<semaphore_mem>>) src(%arg8 : memref<320x128xf32, #tpu.memory_space<vmem>>) dst(%dma_wait3A_403 : memref<320x128xf32, #tpu.memory_space<hbm>>)
    %dma_wait3A_404 = arith.constant 0 : i32
    %dma_wait3A_405 = tpu.memref_slice %arg4[%min3A_3, %dma_wait3A_404] : memref<100000x128xf32, #tpu.memory_space<hbm>> -> memref<320x128xf32, #tpu.memory_space<hbm>>
    %dma_wait3A_406 = arith.constant 0 : i32
    %dma_wait3A_407 = tpu.memref_slice %arg4[%min3A_3, %dma_wait3A_406] : memref<100000x128xf32, #tpu.memory_space<hbm>> -> memref<320x128xf32, #tpu.memory_space<hbm>>
    tpu.wait_dma2 semaphore(%arg15 : memref<!tpu.dma_semaphore, #tpu.memory_space<semaphore_mem>>) src(%arg9 : memref<320x128xf32, #tpu.memory_space<vmem>>) dst(%dma_wait3A_407 : memref<320x128xf32, #tpu.memory_space<hbm>>)
    %dma_wait3A_408 = arith.constant 0 : i32
    %dma_wait3A_409 = tpu.memref_slice %arg4[%min3A_3, %dma_wait3A_408] : memref<100000x128xf32, #tpu.memory_space<hbm>> -> memref<320x128xf32, #tpu.memory_space<hbm>>
    %dma_wait3A_410 = arith.constant 0 : i32
    %dma_wait3A_411 = tpu.memref_slice %arg4[%min3A_3, %dma_wait3A_410] : memref<100000x128xf32, #tpu.memory_space<hbm>> -> memref<320x128xf32, #tpu.memory_space<hbm>>
    tpu.wait_dma2 semaphore(%arg13 : memref<!tpu.dma_semaphore, #tpu.memory_space<semaphore_mem>>) src(%arg7 : memref<320x128xf32, #tpu.memory_space<vmem>>) dst(%dma_wait3A_411 : memref<320x128xf32, #tpu.memory_space<hbm>>)
    return
  }
}

</mosaic_0001>

<sc_bundles>
// kernel: _emb.3.cloned.1.call-start
scs
__scs_entry_jumppad:
0x0: {  	(pc) =	sbr.rel $0x88, $3  }
0x1: {  	(tag) =	ssettag $0x0;
	lr =	simm.s32 $0x1  }
0x2: {  	[smem:$0x3F9F] =	sst lr;
	_ =	strace $0xD0000000  }
0x3: {  	_ = 	snop  }
0x4: {  	_ = 	snop  }
0x5: {  	_ = 	snop  }
0x6: {  	_ = 	snop  }
0x7: {  	_ = 	snop  }
__scs_overlays_trampoline_lowered:
0x8: {  	[smem:$0x3FAE] =	sst s0  }
0x9: {  	[smem:$0x3FAF] =	sst s1  }
0xa: {  	[smem:$0x3FB0] =	sst s2  }
0xb: {  	[smem:$0x3FB1] =	sst s3  }
0xc: {  	[smem:$0x3FB2] =	sst s4  }
0xd: {  	[smem:$0x3FB3] =	sst s5  }
0xe: {  	[smem:$0x3FB4] =	sst s6  }
0xf: {  	[smem:$0x3FB5] =	sst s7  }
0x10: {  	[smem:$0x3FB6] =	sst s8  }
0x11: {  	[smem:$0x3FB7] =	sst s9;
	s0 =	simm.s32 @!p0 $0x0  }
0x12: {  	s1 =	sld [smem:$0x3F9D];
	s0 =	simm.s32 @p0 $0x1  }
0x13: {  	[smem:$0x3FB8] =	sst s0;
	s0 =	simm.s32 @!p1 $0x0  }
0x14: {  	s2 =	sld [smem:$0x3F9C];
	s0 =	simm.s32 @p1 $0x1  }
0x15: {  	[smem:$0x3FB9] =	sst s0;
	s0 =	simm.s32 @!p2 $0x0  }
0x16: {  	s3 =	sld [smem:$0x3FDB];
	s0 =	simm.s32 @p2 $0x1  }
0x17: {  	s4 =	simm.s32 $0x1BF5;
	[smem:$0x3FBB] =	sst s0  }
0x18: {  	s0 =	sld [smem:$0x3F9E];
	_ =	swait.ge [sflag:s4], $0x0  }
0x19: {  	s7 =	sld [smem:$0x3F9F]  }
0x1a: {  	s8 =	sadd.s32 $0xFFFFE003, lr  }
0x1b: {  	s9 =	sadd.s32 $0xFFFFFEF7, lr;
	s5 =	simm.s32 $0xFFFFFFFF;
	p2 =	slt.u32 s8, $0xFFFFF086  }
0x1c: {  	p1 =	slt.u32 s9, $0xF7A;
	s5 =	simm.s32 @!p2 $0x0  }
0x1d: {  	s5 =	simm.s32 @p1 $0x1;
	p0 =	seq.s32 s7, s2  }
0x1e: {  	s7 =	smul.u32 @!p0 $0xF7A, s2;
	p2 =	seq.s32 @!p0 s5, $0x0  }
0x1f: {  	s9 =	smul.u32 $0xF7A, s1;
	s8 =	simm.s32 @!p0 $0x1BF5;
	p2 =	por !p2, p0  }
0x20: {  	[sflag:s8] =	ssyncset.s32 @!p0 $0xFFFFF086;
	s6 =	sadd.s32 @!p0 s3, s7;
	s7 =	simm.s32 @!p0 $0x108  }
0x21: {  	s3 =	sadd.s32 s3, s9;
	s6 =	sadd.s32 @!p0 $0x88, s6;
	s7 =	simm.s32 @p2 $0x1082  }
0x22: {  	[simem:s7], [sflag:s8] =	dma.local @!p0 [hbm:s6], $0xF7A  }
0x23: {  	s9 =	sor.u32 $0xD0000000, s2;
	s6 =	simm.s32 $0x108;
	_ =	swait.ge @!p0 [sflag:s8], $0x0  }
0x24: {  	s3 =	sadd.s32 $0x88, s3;
	s6 =	simm.s32 @!p1 $0x1082;
	[sflag:s4] =	ssyncset.s32 $0xFFFFF086  }
0x25: {  	[simem:s6], [sflag:s4] =	dma.local [hbm:s3], $0xF7A  }
0x26: {  	[smem:$0x3F9F] =	sst s1;
	(tag) =	ssettag s2;
	_ =	strace s9  }
0x27: {  	s1 =	sld [smem:$0x3FAF]  }
0x28: {  	s2 =	sld [smem:$0x3FB0]  }
0x29: {  	s4 =	sld [smem:$0x3FB2]  }
0x2a: {  	p0 =	seq.s32 s5, $0x0;
	s5 =	sld [smem:$0x3FB3]  }
0x2b: {  	s6 =	sld [smem:$0x3FB4]  }
0x2c: {  	s7 =	sld [smem:$0x3FB5]  }
0x2d: {  	s3 =	simm.s32 $0x108;
	s8 =	sld [smem:$0x3FB6]  }
0x2e: {  	s3 =	simm.s32 @!p0 $0x1082;
	s9 =	sld [smem:$0x3FB7]  }
0x2f: {  	lr =	sadd.s32 s0, s3;
	s0 =	sld [smem:$0x3FAE]  }
0x30: {  	s3 =	sld [smem:$0x3FB1]  }
0x31: {  	[smem:$0x3FBA] =	sst s10  }
0x32: {  	s10 =	sld [smem:$0x3FB8];
	_ =	sdelay $0x3  }
0x33: {  	p0 =	seq.s32 s10, $0x1;
	s10 =	sld [smem:$0x3FBA];
	_ =	sdelay $0x3  }
0x34: {  	[smem:$0x3FBA] =	sst s10  }
0x35: {  	s10 =	sld [smem:$0x3FB9];
	_ =	sdelay $0x3  }
0x36: {  	p1 =	seq.s32 s10, $0x1;
	s10 =	sld [smem:$0x3FBA];
	_ =	sdelay $0x3  }
0x37: {  	[smem:$0x3FBA] =	sst s10  }
0x38: {  	s10 =	sld [smem:$0x3FBB]  }
0x39: {  	_ = 	snop;
	(pc) =	sbr.ind lr, $3  }
0x3a: {  	_ = 	snop  }
0x3b: {  	_ = 	snop  }
0x3c: {  	p2 =	seq.s32 s10, $0x1;
	s10 =	sld [smem:$0x3FBA]  }
0x3d: {  	_ =	shalt  }
0x3e: {  	_ =	shalt  }
0x3f: {  	_ =	shalt  }
0x40: {  	_ =	shalt  }
0x41: {  	_ =	shalt  }
0x42: {  	_ =	shalt  }
0x43: {  	_ =	shalt  }
0x44: {  	_ =	shalt  }
0x45: {  	_ =	shalt  }
0x46: {  	_ =	shalt  }
0x47: {  	_ =	shalt  }
0x48: {  	_ =	shalt  }
0x49: {  	_ =	shalt  }
0x4a: {  	_ =	shalt  }
0x4b: {  	_ =	shalt  }
0x4c: {  	_ =	shalt  }
0x4d: {  	_ =	shalt  }
0x4e: {  	_ =	shalt  }
0x4f: {  	_ =	shalt  }
0x50: {  	_ =	shalt  }
0x51: {  	_ =	shalt  }
0x52: {  	_ =	shalt  }
0x53: {  	_ =	shalt  }
0x54: {  	_ =	shalt  }
0x55: {  	_ =	shalt  }
0x56: {  	_ =	shalt  }
0x57: {  	_ =	shalt  }
0x58: {  	_ =	shalt  }
0x59: {  	_ =	shalt  }
0x5a: {  	_ =	shalt  }
0x5b: {  	_ =	shalt  }
0x5c: {  	_ =	shalt  }
0x5d: {  	_ =	shalt  }
0x5e: {  	_ =	shalt  }
0x5f: {  	_ =	shalt  }
0x60: {  	_ =	shalt  }
0x61: {  	_ =	shalt  }
0x62: {  	_ =	shalt  }
0x63: {  	_ =	shalt  }
0x64: {  	_ =	shalt  }
0x65: {  	_ =	shalt  }
0x66: {  	_ =	shalt  }
0x67: {  	_ =	shalt  }
0x68: {  	_ =	shalt  }
0x69: {  	_ =	shalt  }
0x6a: {  	_ =	shalt  }
0x6b: {  	_ =	shalt  }
0x6c: {  	_ =	shalt  }
0x6d: {  	_ =	shalt  }
0x6e: {  	_ =	shalt  }
0x6f: {  	_ =	shalt  }
0x70: {  	_ =	shalt  }
0x71: {  	_ =	shalt  }
0x72: {  	_ =	shalt  }
0x73: {  	_ =	shalt  }
0x74: {  	_ =	shalt  }
0x75: {  	_ =	shalt  }
0x76: {  	_ =	shalt  }
0x77: {  	_ =	shalt  }
0x78: {  	_ =	shalt  }
0x79: {  	_ =	shalt  }
0x7a: {  	_ =	shalt  }
0x7b: {  	_ =	shalt  }
0x7c: {  	_ =	shalt  }
0x7d: {  	_ =	shalt  }
0x7e: {  	_ =	shalt  }
0x7f: {  	_ =	shalt  }
0x80: {  	_ =	shalt  }
0x81: {  	_ =	shalt  }
0x82: {  	_ =	shalt  }
0x83: {  	_ =	shalt  }
0x84: {  	_ =	shalt  }
0x85: {  	_ =	shalt  }
0x86: {  	_ =	shalt  }
0x87: {  	_ =	shalt  }
.Lfunc_end0:
.L_simem_size_0:
called_computation_lowered:
.L_overlay_start_0:
0x88: {  	s2 =	sld [smem:$0x3FD9]  }
0x89: {  	s3 =	sld [smem:$0x3FFE];
	_ =	sdelay $0x1  }
0x8a: {  	s1 =	srdreg.scid  }
0x8b: {  	s0 =	sand.u32 $0x1, s1  }
0x8c: {  	s18 =	sshll.u32 s0, $0xA;
	s2 =	sadd.s32 s3, s2  }
0x8d: {  	s2 =	sadd.s32 s2, s18  }
0x8e: {  	[smem:$0x3FC6] =	sst s2  }
0x8f: {  	_ = 	snop  }
0x90: {  	s2 =	sld [smem:$0x3FC9]  }
0x91: {  	s19 =	sld [smem:$0x3FC8]  }
0x92: {  	s4 =	sld [smem:$0x3FD0];
	(tm) =	ssettm $0x1  }
0x93: {  	s5 =	sld [smem:$0x3FFB];
	_ =	sdelay $0x3  }
0x94: {  	_ =	strace s5  }
0x95: {  	s5 =	sld [smem:$0x3FFC];
	_ =	sdelay $0x3  }
0x96: {  	_ =	strace s5  }
0x97: {  	s5 =	sld [smem:$0x3FFD];
	_ =	sdelay $0x3  }
0x98: {  	_ =	strace s5  }
0x99: {  	_ =	strace $0x8FFFFFFF  }
0x9a: {  	s20 =	sld [smem:$0x3FDB];
	_ =	sdelay $0x1  }
0x9b: {  	s6 =	simm.s32 $_scs_section_size  }
0x9c: {  	s7 =	simm.s32 $_size__tile_overlayer_lowered;
	s8 =	simm.s32 $_tile_overlayer_lowered  }
0x9d: {  	s23 =	simm.s32 $0x1BFF;
	s22 =	sshll.u32 s8, $0x1;
	s5 =	sadd.s32 s6, s20  }
0x9e: {  	s9 =	simm.s32 $0x0;
	s21 =	sshll.u32 s7, $0x1;
	s7 =	sadd.s32 s22, s5  }
0x9f: {  	[timem:s9], [sflag:s23] =	dma.local [hbm:s7], s21  }
0xa0: {  	_ =	swait.ge [sflag:s23], s21  }
0xa1: {  	s6 =	ssub.s32 $0x0, s21;
	[sflag:s23] =	ssyncset.done $0x0  }
0xa2: {  	[sflag:s23] =	ssyncadd.s32 s6;
	_ =	sdelay $0x1  }
0xa3: {  	s24 =	simm.s32 $0x1B8B  }
0xa4: {  	_ =	swait.ge [sflag:s24], $0x1  }
0xa5: {  	[sflag:s24] =	ssyncset.done $0x0  }
0xa6: {  	s25 =	simm.s32 $0x1B8E;
	[sflag:s24] =	ssyncadd.s32 $0xFFFFFFFF  }
0xa7: {  	s26 =	simm.s32 $execute0_lowered;
	[smem:$0x3FD2] =	sst s25  }
0xa8: {  	s6 =	sshll.u32 s26, $0x1;
	_ =	strace $0x80000046;
	[dreg:$0x1] =	wrdreg $0xFFFFFFFF  }
0xa9: {  	s28 =	simm.s32 $_size_execute0_lowered;
	s5 =	sadd.s32 s5, s6;
	[dreg:$0x0] =	wrdreg $0x0  }
0xaa: {  	s6 =	sshll.u32 s28, $0x1;
	[dreg:$0x2] =	wrdreg s5  }
0xab: {  	[dreg:$0x3] =	wrdreg s6  }
0xac: {  	[dreg:$0x4] =	wrdreg $0xC0  }
0xad: {  	_ =	task [dreg:s9], $0x5FFFF  }
0xae: {  	[dreg:$0x1] =	wrdreg $0xFFFFFFFF  }
0xaf: {  	[dreg:$0x0] =	wrdreg $0x60  }
0xb0: {  	[dreg:$0x2] =	wrdreg s2  }
0xb1: {  	[dreg:$0x3] =	wrdreg s19  }
0xb2: {  	[dreg:$0x4] =	wrdreg s4  }
0xb3: {  	[dreg:$0x5] =	wrdreg $0xC800  }
0xb4: {  	[dreg:$0x6] =	wrdreg $0x9  }
0xb5: {  	_ =	task.clear_ibuf [dreg:s9], $0x7FFFF;
	_ =	strace $0x90000046  }
0xb6: {  	s29 =	simm.s32 $0x9;
	_ =	strace $0x80000048  }
0xb7: {  	_ =	swait.ge [sflag:s29], $0x1  }
0xb8: {  	[sflag:s29] =	ssyncadd.s32 $0xFFFFFFFF  }
0xb9: {  	_ =	strace $0x90000048  }
0xba: {  	_ =	sfence  }
0xbb: {  	s30 =	sld [smem:$0x0];
	_ =	sdelay $0x2  }
0xbc: {  	s31 =	sshll.u32 s1, $0xD;
	s1 =	sshrl.u32 s1, $0x2  }
0xbd: {  	s3 =	sand.u32 $0x4000, s31;
	s1 =	sadd.s32 s1, s30  }
0xbe: {  	s0 =	sor.u32 s3, s0;
	s1 =	sshll.u32 s1, $0x11  }
0xbf: {  	s0 =	sor.u32 s1, s0  }
0xc0: {  	s0 =	sadd.s32 $0x8F2B, s0  }
0xc1: {  	[sflag:s0] =	ssyncadd.remote.s32 $0x1  }
0xc2: {  	_ =	sfence.sel $0xFFFF  }
0xc3: {  	[dreg:$0x0] =	wrdreg $0xFFFFFFFF;
	(pc) =	sbr.abs _section_cstart, $3  }
0xc4: {  	[dreg:$0x1] =	wrdreg $0xFFFFFFFF  }
0xc5: {  	_ =	task.clear_ibuf [dreg:s9], $0x2FFFF;
	_ =	strace $0x9FFFFFFF  }
0xc6: {  	(tm) =	ssettm $0x7FFFFFFF  }
0xc7: {  	_ =	shalt  }
tec
execute0_lowered:
.L_overlay_start_1:
0x0: {  	(tag) =	ssettag $0x1  }
0x1: {  	s4 =	rddreg [dreg:$0x0]  }
0x2: {  	s1 =	srdreg.scid;
	s5 =	rddreg [dreg:$0x1]  }
0x3: {  	s0 =	stileid.u32;
	s6 =	rddreg [dreg:$0x2]  }
0x4: {  	s3 =	simm.s32 $0x0;
	s1 =	sand.u32 $0x1, s1;
	s2 =	sshll.u32 s0, $0x1  }
0x5: {  	[smem:$0x7FF] =	sst s3;
	s12 =	sadd.s32 $0x600, s5;
	s2 =	sor.u32 s1, s2  }
0x6: {  	s13 =	sshll.u32 s0, $0x7;
	s7 =	smul.u32 $0xC38, s2;
	s2 =	rddreg [dreg:$0x3]  }
0x7: {  	s5 =	sadd.s32 s5, s13;
	_ =	strace $0x80000047;
	[dreg:$0x6] =	wrdreg s12  }
0x8: {  	s24 =	simm.s32 $0x100;
	[dreg:$0x7] =	wrdreg s5  }
0x9: {  	s25 =	simm.s32 $0x140;
	[dreg:$0x14] =	wrdreg s24  }
0xa: {  	s26 =	simm.s32 $0x1C0;
	[dreg:$0x15] =	wrdreg s25  }
0xb: {  	s9 =	simm.s32 $0x3C0;
	[dreg:$0x16] =	wrdreg s26  }
0xc: {  	s10 =	simm.s32 $0x440;
	[dreg:$0x1b] =	wrdreg s9  }
0xd: {  	s11 =	simm.s32 $0x4C0;
	[dreg:$0x1c] =	wrdreg s10  }
0xe: {  	s13 =	simm.s32 $0x580;
	[dreg:$0x1d] =	wrdreg s11  }
0xf: {  	s12 =	simm.s32 $0x500;
	[dreg:$0x1f] =	wrdreg s13  }
0x10: {  	s19 =	sshll.u32 s0, $0xA;
	[dreg:$0x1e] =	wrdreg s12;
	s7 =	smin.u32 s7, $0x17A20  }
0x11: {  	s25 =	simm.s32 $0xA00;
	s9 =	rddreg [dreg:$0x6];
	s8 =	sshrl.u32 s7, $0x3  }
0x12: {  	[smem:$0x7FD] =	sst s25;
	s7 =	sshll.u32 s7, $0x4;
	s4 =	sadd.s32 s4, s8  }
0x13: {  	s8 =	simm.s32 $0x380;
	[dreg:$0x5] =	wrdreg s4;
	s4 =	sadd.s32 s6, s7  }
0x14: {  	s7 =	sadd.s32 s19, s2;
	[dreg:$0x1a] =	wrdreg s8;
	s19 =	simm.s32 $0x800  }
0x15: {  	[smem:$0x7F8] =	sst s19  }
0x16: {  	s14 =	sadd.s32 $0x1400, s4;
	s24 =	rddreg [dreg:$0x5]  }
0x17: {  	s15 =	sadd.s32 $0x2800, s4;
	[dreg:$0x8] =	wrdreg s14  }
0x18: {  	s16 =	sadd.s32 $0x3C00, s4;
	[dreg:$0x9] =	wrdreg s15  }
0x19: {  	s17 =	sadd.s32 $0x5000, s4;
	[dreg:$0xa] =	wrdreg s16  }
0x1a: {  	s18 =	sadd.s32 $0x6400, s4;
	[dreg:$0xb] =	wrdreg s17  }
0x1b: {  	p0 =	sgt.u32 s0, $0xB;
	s20 =	sadd.s32 $0x7800, s4;
	[dreg:$0xc] =	wrdreg s18  }
0x1c: {  	p1 =	sne.s32 @p0 s0, $0xC;
	s21 =	sadd.s32 $0x8C00, s4;
	[dreg:$0xd] =	wrdreg s20  }
0x1d: {  	p1 =	por p1, !p0;
	s22 =	sadd.s32 $0xA000, s4;
	[dreg:$0xe] =	wrdreg s21  }
0x1e: {  	s6 =	sadd.s32 $0x3000, s2;
	s23 =	sadd.s32 $0xB400, s4;
	[dreg:$0xf] =	wrdreg s22  }
0x1f: {  	s5 =	sshrl.u32 @!p1 s6, $0x3;
	[dreg:$0x10] =	wrdreg s23  }
0x20: {  	s6 =	sshll.u32 @!p0 s0, $0x6;
	s0 =	simm.s32 $0x240;
	[dreg:$0x11] =	wrdreg s5  }
0x21: {  	s5 =	sor.u32 @!p0 $0x1C08, s6;
	[dreg:$0x17] =	wrdreg s0  }
0x22: {  	[tilespmem:s3], [sflag:$0x7] =	stream.linear.gather [hbm4b:s24+s3], $0xC80, $0x38;
	[tilespmem:$0x1EFA0] =	vst v63  }
0x23: {  	s6 =	simm.s32 $0x280;
	[dreg:$0x12] =	wrdreg s5  }
0x24: {  	s14 =	simm.s32 $0x600;
	[dreg:$0x18] =	wrdreg s6  }
0x25: {  	s15 =	simm.s32 $0x640;
	[smem:$0x7F3] =	sst s14  }
0x26: {  	s16 =	simm.s32 $0x6C0;
	[smem:$0x7F4] =	sst s15  }
0x27: {  	s17 =	simm.s32 $0x740;
	[smem:$0x7F5] =	sst s16  }
0x28: {  	s18 =	simm.s32 $0x780;
	[smem:$0x7F6] =	sst s17  }
0x29: {  	s20 =	simm.s32 $0x880;
	[smem:$0x7F7] =	sst s18  }
0x2a: {  	s21 =	simm.s32 $0x8C0;
	[smem:$0x7F9] =	sst s20  }
0x2b: {  	s22 =	simm.s32 $0x940;
	[smem:$0x7FA] =	sst s21  }
0x2c: {  	s23 =	simm.s32 $0x9C0;
	[smem:$0x7FB] =	sst s22  }
0x2d: {  	s5 =	sshrl.u32 @!p0 s7, $0x3;
	[smem:$0x7FC] =	sst s23  }
0x2e: {  	s7 =	simm.s32 $0x300;
	[dreg:$0x13] =	wrdreg s5  }
0x2f: {  	[dreg:$0x19] =	wrdreg s7  }
0x30: {  	s0 =	simm.s32 @!p1 $0x1F08;
	s6 =	simm.s32 @!p1 $0x8;
	s7 =	rddreg [dreg:$0x11]  }
0x31: {  	[spmem:s7], [sflag:s0] =	dma.local @!p1 [hbm:s9], $0x40  }
0x32: {  	_ =	swait.ge @!p1 [sflag:s6], $0x40  }
0x33: {  	s8 =	rddreg [dreg:$0x13]  }
0x34: {  	s9 =	rddreg [dreg:$0x7];
	[sflag:s6] =	ssyncset.done @!p1 $0x0  }
0x35: {  	s7 =	simm.s32 @!p0 $0x8;
	s10 =	rddreg [dreg:$0x12];
	[sflag:s6] =	ssyncadd.s32 @!p1 $0xFFFFFFC0  }
0x36: {  	[spmem:s8], [sflag:s10] =	dma.local @!p0 [hbm:s9], $0x80  }
0x37: {  	_ =	swait.ge @!p0 [sflag:s7], $0x80  }
0x38: {  	[sflag:s7] =	ssyncset.done @!p0 $0x0  }
0x39: {  	[sflag:s7] =	ssyncadd.s32 @!p0 $0xFFFFFF80  }
0x3a: {  	s8 =	simm.s32 $0x7;
	[bflag:$0x0] =	sbarrier.arrive $0xFFFF  }
0x3b: {  	_ =	swait.ge [sflag:s8], $0xC80  }
0x3c: {  	[sflag:s8] =	ssyncset.done $0x0  }
0x3d: {  	s9 =	simm.s32 $0x80;
	s10 =	simm.s32 $0xFA0;
	[sflag:s8] =	ssyncadd.s32 $0xFFFFF380  }
0x3e: {  	[tilespmem:s10], [sflag:$0x1] =	stream.indirect.gather [spmem:s2], $0x80, s3, s9, $0xb8;
	[tilespmem:$0x1EFA0] =	vst v63  }
0x3f: {  	s11 =	simm.s32 $0x4FA0;
	s13 =	simm.s32 $0x8FA0  }
0x40: {  	[tilespmem:s11], [sflag:$0x1] =	stream.indirect.gather [spmem:s2], $0x80, s9, s9, $0xb8;
	[tilespmem:$0x1EFA0] =	vst v63  }
0x41: {  	s12 =	simm.s32 $0x40;
	s14 =	simm.s32 $0x1;
	s15 =	rddreg [dreg:$0x14]  }
0x42: {  	[tilespmem:s13], [sflag:$0x1] =	stream.indirect.gather [spmem:s2], $0x80, s15, s12, $0xb8;
	[tilespmem:$0x1EFA0] =	vst v63  }
0x43: {  	_ =	swait.ge [sflag:s14], $0xA000  }
0x44: {  	[sflag:s14] =	ssyncset.done $0x0  }
0x45: {  	[sflag:s14] =	ssyncadd.s32 $0xFFFF6000  }
0x46: {  	[hbm4b:s4+s3] =	stream.linear.scatter [tilespmem:s10], [sflag:$0x4], $0xA000, $0x38;
	[tilespmem:$0x1EFA0] =	vst v63  }
0x47: {  	s15 =	simm.s32 $0xAFA0;
	s16 =	rddreg [dreg:$0x15]  }
0x48: {  	[tilespmem:s15], [sflag:$0x2] =	stream.indirect.gather [spmem:s2], $0x80, s16, s9, $0xb8;
	[tilespmem:$0x1EFA0] =	vst v63  }
0x49: {  	s17 =	rddreg [dreg:$0x16];
	s16 =	simm.s32 $0xEFA0  }
0x4a: {  	[tilespmem:s16], [sflag:$0x2] =	stream.indirect.gather [spmem:s2], $0x80, s17, s9, $0xb8;
	[tilespmem:$0x1EFA0] =	vst v63  }
0x4b: {  	s18 =	simm.s32 $0x2;
	s19 =	rddreg [dreg:$0x17];
	s17 =	simm.s32 $0x12FA0  }
0x4c: {  	[tilespmem:s17], [sflag:$0x2] =	stream.indirect.gather [spmem:s2], $0x80, s19, s12, $0xb8;
	[tilespmem:$0x1EFA0] =	vst v63  }
0x4d: {  	_ =	swait.ge [sflag:s18], $0xA000  }
0x4e: {  	[sflag:s18] =	ssyncset.done $0x0  }
0x4f: {  	s26 =	rddreg [dreg:$0x8];
	[sflag:s18] =	ssyncadd.s32 $0xFFFF6000  }
0x50: {  	[hbm4b:s26+s3] =	stream.linear.scatter [tilespmem:s15], [sflag:$0x5], $0xA000, $0x38;
	[tilespmem:$0x1EFA0] =	vst v63  }
0x51: {  	s19 =	simm.s32 $0x14FA0;
	s20 =	rddreg [dreg:$0x18]  }
0x52: {  	[tilespmem:s19], [sflag:$0x3] =	stream.indirect.gather [spmem:s2], $0x80, s20, s9, $0xb8;
	[tilespmem:$0x1EFA0] =	vst v63  }
0x53: {  	s21 =	rddreg [dreg:$0x19];
	s20 =	simm.s32 $0x18FA0  }
0x54: {  	[tilespmem:s20], [sflag:$0x3] =	stream.indirect.gather [spmem:s2], $0x80, s21, s9, $0xb8;
	[tilespmem:$0x1EFA0] =	vst v63  }
0x55: {  	s22 =	simm.s32 $0x3;
	s23 =	rddreg [dreg:$0x1a];
	s21 =	simm.s32 $0x1CFA0  }
0x56: {  	[tilespmem:s21], [sflag:$0x3] =	stream.indirect.gather [spmem:s2], $0x80, s23, s12, $0xb8;
	[tilespmem:$0x1EFA0] =	vst v63  }
0x57: {  	_ =	swait.ge [sflag:s22], $0xA000  }
0x58: {  	[sflag:s22] =	ssyncset.done $0x0  }
0x59: {  	s23 =	simm.s32 $0x4;
	s24 =	rddreg [dreg:$0x9];
	[sflag:s22] =	ssyncadd.s32 $0xFFFF6000  }
0x5a: {  	[hbm4b:s24+s3] =	stream.linear.scatter [tilespmem:s19], [sflag:$0x6], $0xA000, $0x38;
	[tilespmem:$0x1EFA0] =	vst v63  }
0x5b: {  	_ =	swait.ge [sflag:s23], $0xA000  }
0x5c: {  	[sflag:s23] =	ssyncset.done $0x0  }
0x5d: {  	s0 =	rddreg [dreg:$0x1b];
	[sflag:s23] =	ssyncadd.s32 $0xFFFF6000  }
0x5e: {  	[tilespmem:s10], [sflag:$0x1] =	stream.indirect.gather [spmem:s2], $0x80, s0, s9, $0xb8;
	[tilespmem:$0x1EFA0] =	vst v63  }
0x5f: {  	s25 =	rddreg [dreg:$0x1c]  }
0x60: {  	[tilespmem:s11], [sflag:$0x1] =	stream.indirect.gather [spmem:s2], $0x80, s25, s9, $0xb8;
	[tilespmem:$0x1EFA0] =	vst v63  }
0x61: {  	s5 =	rddreg [dreg:$0x1d]  }
0x62: {  	[tilespmem:s13], [sflag:$0x1] =	stream.indirect.gather [spmem:s2], $0x80, s5, s12, $0xb8;
	[tilespmem:$0x1EFA0] =	vst v63  }
0x63: {  	_ =	swait.ge [sflag:s14], $0xA000  }
0x64: {  	[sflag:s14] =	ssyncset.done $0x0  }
0x65: {  	s24 =	simm.s32 $0x5;
	s26 =	rddreg [dreg:$0xa];
	[sflag:s14] =	ssyncadd.s32 $0xFFFF6000  }
0x66: {  	[hbm4b:s26+s3] =	stream.linear.scatter [tilespmem:s10], [sflag:$0x4], $0xA000, $0x38;
	[tilespmem:$0x1EFA0] =	vst v63  }
0x67: {  	_ =	swait.ge [sflag:s24], $0xA000  }
0x68: {  	s0 =	rddreg [dreg:$0x1e];
	[sflag:s24] =	ssyncset.done $0x0  }
0x69: {  	s26 =	rddreg [dreg:$0x1f];
	[sflag:s24] =	ssyncadd.s32 $0xFFFF6000  }
0x6a: {  	[tilespmem:s15], [sflag:$0x2] =	stream.indirect.gather [spmem:s2], $0x80, s0, s9, $0xb8;
	[tilespmem:$0x1EFA0] =	vst v63  }
0x6b: {  	s5 =	sld [smem:$0x7F3]  }
0x6c: {  	[tilespmem:s16], [sflag:$0x2] =	stream.indirect.gather [spmem:s2], $0x80, s26, s9, $0xb8;
	[tilespmem:$0x1EFA0] =	vst v63  }
0x6d: {  	_ = 	snop  }
0x6e: {  	[tilespmem:s17], [sflag:$0x2] =	stream.indirect.gather [spmem:s2], $0x80, s5, s12, $0xb8;
	[tilespmem:$0x1EFA0] =	vst v63  }
0x6f: {  	_ =	swait.ge [sflag:s18], $0xA000  }
0x70: {  	[sflag:s18] =	ssyncset.done $0x0  }
0x71: {  	s25 =	simm.s32 $0x6;
	s26 =	rddreg [dreg:$0xb];
	[sflag:s18] =	ssyncadd.s32 $0xFFFF6000  }
0x72: {  	[hbm4b:s26+s3] =	stream.linear.scatter [tilespmem:s15], [sflag:$0x5], $0xA000, $0x38;
	[tilespmem:$0x1EFA0] =	vst v63  }
0x73: {  	_ =	swait.ge [sflag:s25], $0xA000  }
0x74: {  	s0 =	sld [smem:$0x7F4]  }
0x75: {  	[sflag:s25] =	ssyncset.done $0x0  }
0x76: {  	s28 =	sld [smem:$0x7F5];
	[sflag:s25] =	ssyncadd.s32 $0xFFFF6000  }
0x77: {  	[tilespmem:s19], [sflag:$0x3] =	stream.indirect.gather [spmem:s2], $0x80, s0, s9, $0xb8;
	[tilespmem:$0x1EFA0] =	vst v63  }
0x78: {  	s5 =	sld [smem:$0x7F6]  }
0x79: {  	[tilespmem:s20], [sflag:$0x3] =	stream.indirect.gather [spmem:s2], $0x80, s28, s9, $0xb8;
	[tilespmem:$0x1EFA0] =	vst v63  }
0x7a: {  	_ = 	snop  }
0x7b: {  	[tilespmem:s21], [sflag:$0x3] =	stream.indirect.gather [spmem:s2], $0x80, s5, s12, $0xb8;
	[tilespmem:$0x1EFA0] =	vst v63  }
0x7c: {  	_ =	swait.ge [sflag:s22], $0xA000  }
0x7d: {  	[sflag:s22] =	ssyncset.done $0x0  }
0x7e: {  	s0 =	rddreg [dreg:$0xc];
	[sflag:s22] =	ssyncadd.s32 $0xFFFF6000  }
0x7f: {  	[hbm4b:s0+s3] =	stream.linear.scatter [tilespmem:s19], [sflag:$0x6], $0xA000, $0x38;
	[tilespmem:$0x1EFA0] =	vst v63  }
0x80: {  	_ =	swait.ge [sflag:s23], $0xA000  }
0x81: {  	s5 =	sld [smem:$0x7F7]  }
0x82: {  	[sflag:s23] =	ssyncset.done $0x0  }
0x83: {  	s28 =	sld [smem:$0x7F8];
	[sflag:s23] =	ssyncadd.s32 $0xFFFF6000  }
0x84: {  	[tilespmem:s10], [sflag:$0x1] =	stream.indirect.gather [spmem:s2], $0x80, s5, s9, $0xb8;
	[tilespmem:$0x1EFA0] =	vst v63  }
0x85: {  	s0 =	sld [smem:$0x7F9]  }
0x86: {  	[tilespmem:s11], [sflag:$0x1] =	stream.indirect.gather [spmem:s2], $0x80, s28, s9, $0xb8;
	[tilespmem:$0x1EFA0] =	vst v63  }
0x87: {  	_ = 	snop  }
0x88: {  	[tilespmem:s13], [sflag:$0x1] =	stream.indirect.gather [spmem:s2], $0x80, s0, s12, $0xb8;
	[tilespmem:$0x1EFA0] =	vst v63  }
0x89: {  	_ =	swait.ge [sflag:s14], $0xA000  }
0x8a: {  	[sflag:s14] =	ssyncset.done $0x0  }
0x8b: {  	s5 =	rddreg [dreg:$0xd];
	[sflag:s14] =	ssyncadd.s32 $0xFFFF6000  }
0x8c: {  	[hbm4b:s5+s3] =	stream.linear.scatter [tilespmem:s10], [sflag:$0x4], $0xA000, $0x38;
	[tilespmem:$0x1EFA0] =	vst v63  }
0x8d: {  	_ =	swait.ge [sflag:s24], $0xA000  }
0x8e: {  	s0 =	sld [smem:$0x7FA]  }
0x8f: {  	[sflag:s24] =	ssyncset.done $0x0  }
0x90: {  	s28 =	sld [smem:$0x7FB];
	[sflag:s24] =	ssyncadd.s32 $0xFFFF6000  }
0x91: {  	[tilespmem:s15], [sflag:$0x2] =	stream.indirect.gather [spmem:s2], $0x80, s0, s9, $0xb8;
	[tilespmem:$0x1EFA0] =	vst v63  }
0x92: {  	s5 =	sld [smem:$0x7FC]  }
0x93: {  	[tilespmem:s16], [sflag:$0x2] =	stream.indirect.gather [spmem:s2], $0x80, s28, s9, $0xb8;
	[tilespmem:$0x1EFA0] =	vst v63  }
0x94: {  	_ = 	snop  }
0x95: {  	[tilespmem:s17], [sflag:$0x2] =	stream.indirect.gather [spmem:s2], $0x80, s5, s12, $0xb8;
	[tilespmem:$0x1EFA0] =	vst v63  }
0x96: {  	_ =	swait.ge [sflag:s18], $0xA000  }
0x97: {  	[sflag:s18] =	ssyncset.done $0x0  }
0x98: {  	s0 =	rddreg [dreg:$0xe];
	[sflag:s18] =	ssyncadd.s32 $0xFFFF6000  }
0x99: {  	[hbm4b:s0+s3] =	stream.linear.scatter [tilespmem:s15], [sflag:$0x5], $0xA000, $0x38;
	[tilespmem:$0x1EFA0] =	vst v63  }
0x9a: {  	_ =	swait.ge [sflag:s25], $0xA000  }
0x9b: {  	s5 =	sld [smem:$0x7FD]  }
0x9c: {  	[sflag:s25] =	ssyncset.done $0x0  }
0x9d: {  	[sflag:s25] =	ssyncadd.s32 $0xFFFF6000  }
0x9e: {  	[tilespmem:s19], [sflag:$0x3] =	stream.indirect.gather [spmem:s2], $0x80, s5, s9, $0xb8;
	[tilespmem:$0x1EFA0] =	vst v63  }
0x9f: {  	s26 =	simm.s32 $0xA80  }
0xa0: {  	[tilespmem:s20], [sflag:$0x3] =	stream.indirect.gather [spmem:s2], $0x80, s26, s9, $0xb8;
	[tilespmem:$0x1EFA0] =	vst v63  }
0xa1: {  	s28 =	simm.s32 $0xB00  }
0xa2: {  	[tilespmem:s21], [sflag:$0x3] =	stream.indirect.gather [spmem:s2], $0x80, s28, s12, $0xb8;
	[tilespmem:$0x1EFA0] =	vst v63  }
0xa3: {  	_ =	swait.ge [sflag:s22], $0xA000  }
0xa4: {  	[sflag:s22] =	ssyncset.done $0x0  }
0xa5: {  	s29 =	rddreg [dreg:$0xf];
	[sflag:s22] =	ssyncadd.s32 $0xFFFF6000  }
0xa6: {  	[hbm4b:s29+s3] =	stream.linear.scatter [tilespmem:s19], [sflag:$0x6], $0xA000, $0x38;
	[tilespmem:$0x1EFA0] =	vst v63  }
0xa7: {  	_ =	swait.ge [sflag:s23], $0xA000  }
0xa8: {  	[sflag:s23] =	ssyncset.done $0x0  }
0xa9: {  	s29 =	simm.s32 $0xB40;
	[sflag:s23] =	ssyncadd.s32 $0xFFFF6000  }
0xaa: {  	[tilespmem:s10], [sflag:$0x1] =	stream.indirect.gather [spmem:s2], $0x80, s29, s9, $0xb8;
	[tilespmem:$0x1EFA0] =	vst v63  }
0xab: {  	s30 =	simm.s32 $0xBC0;
	s26 =	ssub.s32 $0x2, s1  }
0xac: {  	[tilespmem:s11], [sflag:$0x1] =	stream.indirect.gather [spmem:s2], $0x80, s30, s9, $0xb8;
	[tilespmem:$0x1EFA0] =	vst v63  }
0xad: {  	s31 =	simm.s32 $0xC40;
	s1 =	sshrl.u32 s26, $0x1  }
0xae: {  	[tilespmem:s13], [sflag:$0x1] =	stream.indirect.gather [spmem:s2], $0x80, s31, s12, $0xb8;
	[tilespmem:$0x1EFA0] =	vst v63  }
0xaf: {  	s0 =	ssub.s32 s26, s1;
	_ =	swait.ge [sflag:s14], $0xA000  }
0xb0: {  	s0 =	smax.u32 s0, $0x1;
	[sflag:s14] =	ssyncset.done $0x0  }
0xb1: {  	s1 =	sadd.s32 $0xFFFFFFFF, s0;
	s5 =	rddreg [dreg:$0x10];
	[sflag:s14] =	ssyncadd.s32 $0xFFFF6000  }
0xb2: {  	[hbm4b:s5+s3] =	stream.linear.scatter [tilespmem:s10], [sflag:$0x4], $0xA000, $0x38;
	[tilespmem:$0x1EFA0] =	vst v63  }
0xb3: {  	p2 =	sne.s32 s1, $0x0;
	_ =	swait.ge [sflag:s24], $0xA000  }
.Ltmp0:
0xb4: {  	[sflag:s24] =	ssyncset.done $0x0;
	(pc) =	sbr.rel @!p2 .LBB2_2-.Ltmp0, $4  }
0xb5: {  	[sflag:s24] =	ssyncadd.s32 $0xFFFF6000  }
0xb6: {  	_ =	swait.ge [sflag:s25], $0xA000  }
0xb7: {  	[sflag:s25] =	ssyncset.done $0x0  }
0xb8: {  	[sflag:s25] =	ssyncadd.s32 $0xFFFF6000  }
.LBB2_1:
0xb9: {  	_ =	swait.ge [sflag:s23], $0xA000  }
0xba: {  	s0 =	rddreg [dreg:$0x11];
	[sflag:s23] =	ssyncset.done $0x0  }
0xbb: {  	s5 =	rddreg [dreg:$0x5];
	[sflag:s23] =	ssyncadd.s32 $0xFFFF6000  }
0xbc: {  	[tilespmem:s3], [sflag:$0x7] =	stream.linear.gather [hbm4b:s5+s3], $0xC80, $0x38;
	[tilespmem:$0x1EFA0] =	vst v63  }
0xbd: {  	s26 =	rddreg [dreg:$0x6];
	s5 =	simm.s32 @!p1 $0x1F08  }
0xbe: {  	[spmem:s0], [sflag:s5] =	dma.local @!p1 [hbm:s26], $0x40  }
0xbf: {  	_ =	swait.ge @!p1 [sflag:s6], $0x40  }
0xc0: {  	s0 =	rddreg [dreg:$0x13]  }
0xc1: {  	[sflag:s6] =	ssyncset.done @!p1 $0x0;
	s5 =	rddreg [dreg:$0x7]  }
0xc2: {  	s26 =	rddreg [dreg:$0x12];
	[sflag:s6] =	ssyncadd.s32 @!p1 $0xFFFFFFC0  }
0xc3: {  	[spmem:s0], [sflag:s26] =	dma.local @!p0 [hbm:s5], $0x80  }
0xc4: {  	_ =	swait.ge @!p0 [sflag:s7], $0x80  }
0xc5: {  	[sflag:s7] =	ssyncset.done @!p0 $0x0  }
0xc6: {  	[sflag:s7] =	ssyncadd.s32 @!p0 $0xFFFFFF80  }
0xc7: {  	[bflag:$0x0] =	sbarrier.arrive $0xFFFF  }
0xc8: {  	_ =	swait.ge [sflag:s8], $0xC80  }
0xc9: {  	[sflag:s8] =	ssyncset.done $0x0  }
0xca: {  	[sflag:s8] =	ssyncadd.s32 $0xFFFFF380  }
0xcb: {  	[tilespmem:s10], [sflag:$0x1] =	stream.indirect.gather [spmem:s2], $0x80, s3, s9, $0xb8;
	[tilespmem:$0x1EFA0] =	vst v63  }
0xcc: {  	_ = 	snop  }
0xcd: {  	[tilespmem:s11], [sflag:$0x1] =	stream.indirect.gather [spmem:s2], $0x80, s9, s9, $0xb8;
	[tilespmem:$0x1EFA0] =	vst v63  }
0xce: {  	s26 =	rddreg [dreg:$0x14]  }
0xcf: {  	[tilespmem:s13], [sflag:$0x1] =	stream.indirect.gather [spmem:s2], $0x80, s26, s12, $0xb8;
	[tilespmem:$0x1EFA0] =	vst v63  }
0xd0: {  	_ =	swait.ge [sflag:s14], $0xA000  }
0xd1: {  	[sflag:s14] =	ssyncset.done $0x0  }
0xd2: {  	[sflag:s14] =	ssyncadd.s32 $0xFFFF6000  }
0xd3: {  	[hbm4b:s4+s3] =	stream.linear.scatter [tilespmem:s10], [sflag:$0x4], $0xA000, $0x38;
	[tilespmem:$0x1EFA0] =	vst v63  }
0xd4: {  	s0 =	rddreg [dreg:$0x15]  }
0xd5: {  	[tilespmem:s15], [sflag:$0x2] =	stream.indirect.gather [spmem:s2], $0x80, s0, s9, $0xb8;
	[tilespmem:$0x1EFA0] =	vst v63  }
0xd6: {  	s5 =	rddreg [dreg:$0x16]  }
0xd7: {  	[tilespmem:s16], [sflag:$0x2] =	stream.indirect.gather [spmem:s2], $0x80, s5, s9, $0xb8;
	[tilespmem:$0x1EFA0] =	vst v63  }
0xd8: {  	s26 =	rddreg [dreg:$0x17]  }
0xd9: {  	[tilespmem:s17], [sflag:$0x2] =	stream.indirect.gather [spmem:s2], $0x80, s26, s12, $0xb8;
	[tilespmem:$0x1EFA0] =	vst v63  }
0xda: {  	_ =	swait.ge [sflag:s18], $0xA000  }
0xdb: {  	[sflag:s18] =	ssyncset.done $0x0  }
0xdc: {  	s0 =	rddreg [dreg:$0x8];
	[sflag:s18] =	ssyncadd.s32 $0xFFFF6000  }
0xdd: {  	[hbm4b:s0+s3] =	stream.linear.scatter [tilespmem:s15], [sflag:$0x5], $0xA000, $0x38;
	[tilespmem:$0x1EFA0] =	vst v63  }
0xde: {  	s5 =	rddreg [dreg:$0x18]  }
0xdf: {  	[tilespmem:s19], [sflag:$0x3] =	stream.indirect.gather [spmem:s2], $0x80, s5, s9, $0xb8;
	[tilespmem:$0x1EFA0] =	vst v63  }
0xe0: {  	s26 =	rddreg [dreg:$0x19]  }
0xe1: {  	[tilespmem:s20], [sflag:$0x3] =	stream.indirect.gather [spmem:s2], $0x80, s26, s9, $0xb8;
	[tilespmem:$0x1EFA0] =	vst v63  }
0xe2: {  	s0 =	rddreg [dreg:$0x1a]  }
0xe3: {  	[tilespmem:s21], [sflag:$0x3] =	stream.indirect.gather [spmem:s2], $0x80, s0, s12, $0xb8;
	[tilespmem:$0x1EFA0] =	vst v63  }
0xe4: {  	_ =	swait.ge [sflag:s22], $0xA000  }
0xe5: {  	[sflag:s22] =	ssyncset.done $0x0  }
0xe6: {  	s5 =	rddreg [dreg:$0x9];
	[sflag:s22] =	ssyncadd.s32 $0xFFFF6000  }
0xe7: {  	[hbm4b:s5+s3] =	stream.linear.scatter [tilespmem:s19], [sflag:$0x6], $0xA000, $0x38;
	[tilespmem:$0x1EFA0] =	vst v63  }
0xe8: {  	_ =	swait.ge [sflag:s23], $0xA000  }
0xe9: {  	[sflag:s23] =	ssyncset.done $0x0  }
0xea: {  	s0 =	rddreg [dreg:$0x1b];
	[sflag:s23] =	ssyncadd.s32 $0xFFFF6000  }
0xeb: {  	[tilespmem:s10], [sflag:$0x1] =	stream.indirect.gather [spmem:s2], $0x80, s0, s9, $0xb8;
	[tilespmem:$0x1EFA0] =	vst v63  }
0xec: {  	s5 =	rddreg [dreg:$0x1c]  }
0xed: {  	[tilespmem:s11], [sflag:$0x1] =	stream.indirect.gather [spmem:s2], $0x80, s5, s9, $0xb8;
	[tilespmem:$0x1EFA0] =	vst v63  }
0xee: {  	s26 =	rddreg [dreg:$0x1d]  }
0xef: {  	[tilespmem:s13], [sflag:$0x1] =	stream.indirect.gather [spmem:s2], $0x80, s26, s12, $0xb8;
	[tilespmem:$0x1EFA0] =	vst v63  }
0xf0: {  	_ =	swait.ge [sflag:s14], $0xA000  }
0xf1: {  	[sflag:s14] =	ssyncset.done $0x0  }
0xf2: {  	s26 =	rddreg [dreg:$0xa];
	[sflag:s14] =	ssyncadd.s32 $0xFFFF6000  }
0xf3: {  	[hbm4b:s26+s3] =	stream.linear.scatter [tilespmem:s10], [sflag:$0x4], $0xA000, $0x38;
	[tilespmem:$0x1EFA0] =	vst v63  }
0xf4: {  	_ =	swait.ge [sflag:s24], $0xA000  }
0xf5: {  	[sflag:s24] =	ssyncset.done $0x0;
	s0 =	rddreg [dreg:$0x1e]  }
0xf6: {  	s5 =	rddreg [dreg:$0x1f];
	[sflag:s24] =	ssyncadd.s32 $0xFFFF6000  }
0xf7: {  	[tilespmem:s15], [sflag:$0x2] =	stream.indirect.gather [spmem:s2], $0x80, s0, s9, $0xb8;
	[tilespmem:$0x1EFA0] =	vst v63  }
0xf8: {  	s26 =	sld [smem:$0x7F3]  }
0xf9: {  	[tilespmem:s16], [sflag:$0x2] =	stream.indirect.gather [spmem:s2], $0x80, s5, s9, $0xb8;
	[tilespmem:$0x1EFA0] =	vst v63  }
0xfa: {  	_ = 	snop  }
0xfb: {  	[tilespmem:s17], [sflag:$0x2] =	stream.indirect.gather [spmem:s2], $0x80, s26, s12, $0xb8;
	[tilespmem:$0x1EFA0] =	vst v63  }
0xfc: {  	_ =	swait.ge [sflag:s18], $0xA000  }
0xfd: {  	[sflag:s18] =	ssyncset.done $0x0  }
0xfe: {  	s5 =	rddreg [dreg:$0xb];
	[sflag:s18] =	ssyncadd.s32 $0xFFFF6000  }
0xff: {  	[hbm4b:s5+s3] =	stream.linear.scatter [tilespmem:s15], [sflag:$0x5], $0xA000, $0x38;
	[tilespmem:$0x1EFA0] =	vst v63  }
0x100: {  	_ =	swait.ge [sflag:s25], $0xA000  }
0x101: {  	s0 =	sld [smem:$0x7F4]  }
0x102: {  	[sflag:s25] =	ssyncset.done $0x0  }
0x103: {  	s5 =	sld [smem:$0x7F5];
	[sflag:s25] =	ssyncadd.s32 $0xFFFF6000  }
0x104: {  	[tilespmem:s19], [sflag:$0x3] =	stream.indirect.gather [spmem:s2], $0x80, s0, s9, $0xb8;
	[tilespmem:$0x1EFA0] =	vst v63  }
0x105: {  	s26 =	sld [smem:$0x7F6]  }
0x106: {  	[tilespmem:s20], [sflag:$0x3] =	stream.indirect.gather [spmem:s2], $0x80, s5, s9, $0xb8;
	[tilespmem:$0x1EFA0] =	vst v63  }
0x107: {  	_ = 	snop  }
0x108: {  	[tilespmem:s21], [sflag:$0x3] =	stream.indirect.gather [spmem:s2], $0x80, s26, s12, $0xb8;
	[tilespmem:$0x1EFA0] =	vst v63  }
0x109: {  	_ =	swait.ge [sflag:s22], $0xA000  }
0x10a: {  	[sflag:s22] =	ssyncset.done $0x0  }
0x10b: {  	s26 =	rddreg [dreg:$0xc];
	[sflag:s22] =	ssyncadd.s32 $0xFFFF6000  }
0x10c: {  	[hbm4b:s26+s3] =	stream.linear.scatter [tilespmem:s19], [sflag:$0x6], $0xA000, $0x38;
	[tilespmem:$0x1EFA0] =	vst v63  }
0x10d: {  	_ =	swait.ge [sflag:s23], $0xA000  }
0x10e: {  	s0 =	sld [smem:$0x7F7]  }
0x10f: {  	[sflag:s23] =	ssyncset.done $0x0  }
0x110: {  	s5 =	sld [smem:$0x7F8];
	[sflag:s23] =	ssyncadd.s32 $0xFFFF6000  }
0x111: {  	[tilespmem:s10], [sflag:$0x1] =	stream.indirect.gather [spmem:s2], $0x80, s0, s9, $0xb8;
	[tilespmem:$0x1EFA0] =	vst v63  }
0x112: {  	s26 =	sld [smem:$0x7F9]  }
0x113: {  	[tilespmem:s11], [sflag:$0x1] =	stream.indirect.gather [spmem:s2], $0x80, s5, s9, $0xb8;
	[tilespmem:$0x1EFA0] =	vst v63  }
0x114: {  	_ = 	snop  }
0x115: {  	[tilespmem:s13], [sflag:$0x1] =	stream.indirect.gather [spmem:s2], $0x80, s26, s12, $0xb8;
	[tilespmem:$0x1EFA0] =	vst v63  }
0x116: {  	_ =	swait.ge [sflag:s14], $0xA000  }
0x117: {  	[sflag:s14] =	ssyncset.done $0x0  }
0x118: {  	s5 =	rddreg [dreg:$0xd];
	[sflag:s14] =	ssyncadd.s32 $0xFFFF6000  }
0x119: {  	[hbm4b:s5+s3] =	stream.linear.scatter [tilespmem:s10], [sflag:$0x4], $0xA000, $0x38;
	[tilespmem:$0x1EFA0] =	vst v63  }
0x11a: {  	_ =	swait.ge [sflag:s24], $0xA000  }
0x11b: {  	s0 =	sld [smem:$0x7FA]  }
0x11c: {  	[sflag:s24] =	ssyncset.done $0x0  }
0x11d: {  	s5 =	sld [smem:$0x7FB];
	[sflag:s24] =	ssyncadd.s32 $0xFFFF6000  }
0x11e: {  	[tilespmem:s15], [sflag:$0x2] =	stream.indirect.gather [spmem:s2], $0x80, s0, s9, $0xb8;
	[tilespmem:$0x1EFA0] =	vst v63  }
0x11f: {  	s26 =	sld [smem:$0x7FC]  }
0x120: {  	[tilespmem:s16], [sflag:$0x2] =	stream.indirect.gather [spmem:s2], $0x80, s5, s9, $0xb8;
	[tilespmem:$0x1EFA0] =	vst v63  }
0x121: {  	_ = 	snop  }
0x122: {  	[tilespmem:s17], [sflag:$0x2] =	stream.indirect.gather [spmem:s2], $0x80, s26, s12, $0xb8;
	[tilespmem:$0x1EFA0] =	vst v63  }
0x123: {  	_ =	swait.ge [sflag:s18], $0xA000  }
0x124: {  	[sflag:s18] =	ssyncset.done $0x0  }
0x125: {  	s26 =	rddreg [dreg:$0xe];
	[sflag:s18] =	ssyncadd.s32 $0xFFFF6000  }
0x126: {  	[hbm4b:s26+s3] =	stream.linear.scatter [tilespmem:s15], [sflag:$0x5], $0xA000, $0x38;
	[tilespmem:$0x1EFA0] =	vst v63  }
0x127: {  	_ =	swait.ge [sflag:s25], $0xA000  }
0x128: {  	s5 =	sld [smem:$0x7FD]  }
0x129: {  	[sflag:s25] =	ssyncset.done $0x0  }
0x12a: {  	[sflag:s25] =	ssyncadd.s32 $0xFFFF6000  }
0x12b: {  	[tilespmem:s19], [sflag:$0x3] =	stream.indirect.gather [spmem:s2], $0x80, s5, s9, $0xb8;
	[tilespmem:$0x1EFA0] =	vst v63  }
0x12c: {  	s26 =	simm.s32 $0xA80  }
0x12d: {  	[tilespmem:s20], [sflag:$0x3] =	stream.indirect.gather [spmem:s2], $0x80, s26, s9, $0xb8;
	[tilespmem:$0x1EFA0] =	vst v63  }
0x12e: {  	_ = 	snop  }
0x12f: {  	[tilespmem:s21], [sflag:$0x3] =	stream.indirect.gather [spmem:s2], $0x80, s28, s12, $0xb8;
	[tilespmem:$0x1EFA0] =	vst v63  }
0x130: {  	_ =	swait.ge [sflag:s22], $0xA000  }
0x131: {  	[sflag:s22] =	ssyncset.done $0x0  }
0x132: {  	s5 =	rddreg [dreg:$0xf];
	[sflag:s22] =	ssyncadd.s32 $0xFFFF6000  }
0x133: {  	[hbm4b:s5+s3] =	stream.linear.scatter [tilespmem:s19], [sflag:$0x6], $0xA000, $0x38;
	[tilespmem:$0x1EFA0] =	vst v63  }
0x134: {  	_ =	swait.ge [sflag:s23], $0xA000  }
0x135: {  	[sflag:s23] =	ssyncset.done $0x0  }
0x136: {  	[sflag:s23] =	ssyncadd.s32 $0xFFFF6000  }
0x137: {  	[tilespmem:s10], [sflag:$0x1] =	stream.indirect.gather [spmem:s2], $0x80, s29, s9, $0xb8;
	[tilespmem:$0x1EFA0] =	vst v63  }
0x138: {  	_ = 	snop  }
0x139: {  	[tilespmem:s11], [sflag:$0x1] =	stream.indirect.gather [spmem:s2], $0x80, s30, s9, $0xb8;
	[tilespmem:$0x1EFA0] =	vst v63  }
0x13a: {  	_ = 	snop  }
0x13b: {  	[tilespmem:s13], [sflag:$0x1] =	stream.indirect.gather [spmem:s2], $0x80, s31, s12, $0xb8;
	[tilespmem:$0x1EFA0] =	vst v63  }
0x13c: {  	_ =	swait.ge [sflag:s14], $0xA000  }
0x13d: {  	[sflag:s14] =	ssyncset.done $0x0  }
0x13e: {  	s1 =	sadd.s32 $0xFFFFFFFF, s1;
	s26 =	rddreg [dreg:$0x10];
	[sflag:s14] =	ssyncadd.s32 $0xFFFF6000  }
0x13f: {  	[hbm4b:s26+s3] =	stream.linear.scatter [tilespmem:s10], [sflag:$0x4], $0xA000, $0x38;
	[tilespmem:$0x1EFA0] =	vst v63  }
0x140: {  	p2 =	sne.s32 s1, $0x0;
	_ =	swait.ge [sflag:s24], $0xA000  }
.Ltmp1:
0x141: {  	[sflag:s24] =	ssyncset.done $0x0;
	(pc) =	sbr.rel @p2 .LBB2_1-.Ltmp1, $4  }
0x142: {  	[sflag:s24] =	ssyncadd.s32 $0xFFFF6000  }
0x143: {  	_ =	swait.ge [sflag:s25], $0xA000  }
0x144: {  	[sflag:s25] =	ssyncset.done $0x0  }
0x145: {  	[sflag:s25] =	ssyncadd.s32 $0xFFFF6000  }
.LBB2_2:
0x146: {  	_ =	swait.ge [sflag:s23], $0xA000  }
0x147: {  	[sflag:s23] =	ssyncset.done $0x0  }
0x148: {  	[sflag:s23] =	ssyncadd.s32 $0xFFFF6000  }
0x149: {  	_ =	sfence.sel $0x180000  }
0x14a: {  	[bflag:$0x0] =	sbarrier.arrive $0xFFFF  }
0x14b: {  	_ =	strace $0x90000047  }
0x14c: {  	s0 =	stileid.u32;
	[bflag:$0x2] =	sbarrier.arrive $0xFFFF  }
0x14d: {  	p0 =	sne.s32 s0, $0x0;
	s0 =	rddreg [dreg:$0x4]  }
0x14e: {  	s0 =	sadd.s32 @!p0 $0x100000, s0  }
0x14f: {  	[sflag:s0] =	ssyncadd.tile.s32 @!p0 $0x1;
	_ =	shalt  }
.Lfunc_end2:
_tile_overlayer_lowered:
.L_overlay_start_2:
0x150: {  	(tag) =	ssettag $0x2  }
0x151: {  	s0 =	rddreg [dreg:$0x0];
	s2 =	stileid.u32  }
0x152: {  	s1 =	rddreg [dreg:$0x1];
	p0 =	sne.s32 s2, $0x0  }
0x153: {  	s3 =	rddreg [dreg:$0x2];
	[bflag:$0x3] =	sbarrier.arrive $0xFFFF;
	s2 =	simm.s32 @!p0 $0x1C08  }
0x154: {  	[timem:s3], [sflag:s2] =	dma.local @!p0 [hbm:s0], s1  }
0x155: {  	s0 =	simm.s32 @!p0 $0x8  }
0x156: {  	_ =	swait.ge @!p0 [sflag:s0], s1  }
0x157: {  	s1 =	ssub.s32 @!p0 $0x0, s1;
	[sflag:s0] =	ssyncset.done @!p0 $0x0  }
0x158: {  	[sflag:s0] =	ssyncadd.s32 @!p0 s1  }
0x159: {  	[bflag:$0x3] =	sbarrier.arrive $0xFFFF  }
0x15a: {  	_ =	shalt  }

</sc_bundles>
